<compile_context>
chip_gen: v7x
topology: tpu7x:2x2x1
jax: 0.10.2.dev20260603
libtpu: 0.0.44.dev20260713+nightly
codegen_flags: <defaults>
</compile_context>

<pallas_src>
import functools

import jax
import jax.numpy as jnp
from jax import lax
from jax.experimental import pallas as pl
from jax.experimental.pallas import tpu as pltpu
from jax.experimental.pallas import tpu_sc as plsc

MAX_LEN = 8192
EMBED_DIM = 1024
BATCH = 4
SEQ = 8192

_B_TOTAL = BATCH * SEQ
_NC = 2
_NS = 16
_NW = _NC * _NS
_B_PER_W = _B_TOTAL // _NW
_CH = 16
_NCH = _B_PER_W // _CH
_NBUF = 6


@functools.partial(
    pl.kernel,
    out_type=jax.ShapeDtypeStruct((_B_TOTAL, EMBED_DIM), jnp.float32),
    mesh=plsc.VectorSubcoreMesh(core_axis_name="c", subcore_axis_name="s"),
    scratch_types=[
        pltpu.VMEM((_B_PER_W,), jnp.int32),
        pltpu.VMEM((_NBUF, _CH, EMBED_DIM), jnp.float32),
        pltpu.SemaphoreType.DMA,
        pltpu.SemaphoreType.DMA,
        pltpu.SemaphoreType.DMA,
        pltpu.SemaphoreType.DMA,
        pltpu.SemaphoreType.DMA,
        pltpu.SemaphoreType.DMA,
        pltpu.SemaphoreType.DMA,
        pltpu.SemaphoreType.DMA,
        pltpu.SemaphoreType.DMA,
        pltpu.SemaphoreType.DMA,
        pltpu.SemaphoreType.DMA,
        pltpu.SemaphoreType.DMA,
    ],
)
def _gather_rows(idx_hbm, table_hbm, out_hbm, idx_v, rows_v,
                 g0, g1, g2, g3, g4, g5, w0, w1, w2, w3, w4, w5):
    gsem = (g0, g1, g2, g3, g4, g5)
    wsem = (w0, w1, w2, w3, w4, w5)
    wid = lax.axis_index("s") * _NC + lax.axis_index("c")
    base = wid * _B_PER_W

    pltpu.sync_copy(idx_hbm.at[pl.ds(base, _B_PER_W)], idx_v)

    def start_gather(c, b):
        pltpu.async_copy(
            table_hbm.at[idx_v.at[pl.ds(c * _CH, _CH)]], rows_v.at[b], gsem[b])

    def wait_gather(c, b):
        pltpu.make_async_copy(
            table_hbm.at[idx_v.at[pl.ds(c * _CH, _CH)]], rows_v.at[b],
            gsem[b]).wait()

    def start_wb(c, b):
        off = base + c * _CH
        pltpu.async_copy(rows_v.at[b], out_hbm.at[pl.ds(off, _CH)], wsem[b])

    def wait_wb(b):
        pltpu.make_async_copy(
            rows_v.at[b], out_hbm.at[pl.ds(base, _CH)], wsem[b]).wait()

    for c in range(4):
        start_gather(c, c)
    for c in range(2):
        wait_gather(c, c)
        start_wb(c, c)
        start_gather(c + 4, c + 4)

    def hex_body(g, _):
        for j in range(6):
            c = 2 + g * 6 + j
            b = (2 + j) % 6
            wait_gather(c, b)
            start_wb(c, b)
            wait_wb((b + 4) % 6)
            start_gather(c + 4, (b + 4) % 6)
        return 0

    lax.fori_loop(0, (_NCH - 8) // 6, hex_body, 0)

    for c in range(_NCH - 8, _NCH):
        b = c % 6
        wait_gather(c, b)
        start_wb(c, b)
        wait_wb((b + 4) % 6)
        if c + 4 < _NCH:
            start_gather(c + 4, (b + 4) % 6)
    for c in range(_NCH - 2, _NCH):
        wait_wb(c % 6)


def kernel(input_pos_tensors, table):
    idx_flat = input_pos_tensors.reshape(-1).astype(jnp.int32)
    out = _gather_rows(idx_flat, table)
    return out.reshape(BATCH, SEQ, EMBED_DIM)

# --- scband reference (transcript-rebuilt; emitter-appended) ---
"""Pipeline reference for scband-learned-positional-embedding-56418690400840 (READ-ONLY COPY).

The authoritative reference and input builder live on the scoring server;
editing this copy changes nothing except your own understanding.
"""

import jax, jax.numpy as jnp
import numpy as np

MAX_LEN = 8192
EMBED_DIM = 1024
BATCH = 4
SEQ = 8192

def setup_inputs(seed: int = 0) -> dict:
    key = jax.random.key(seed)
    k1, k2 = jax.random.split(key)
    # nn.Embedding weight ~ N(0,1); padding_idx=0 row is zeroed at init
    table = jax.random.normal(k1, (MAX_LEN, EMBED_DIM), dtype=jnp.float32)
    table = table.at[0].set(0.0)
    input_pos_tensors = jax.random.randint(k2, (BATCH, SEQ), 0, MAX_LEN, dtype=jnp.int64 if jax.config.jax_enable_x64 else jnp.int32)
    return {"input_pos_tensors": input_pos_tensors, "table": table}

def reference(input_pos_tensors, table):
    # Faithful to nn.Embedding(max_len, embed_dim, padding_idx=0):
    # row 0 of the effective table is always zero.
    mask = jnp.ones((table.shape[0], 1), dtype=table.dtype).at[0].set(0.0)
    eff_table = table * mask
    return jnp.take(eff_table, input_pos_tensors, axis=0)

if __name__ == "__main__":
    import jax
    _d = setup_inputs()
    print(jax.jit(kernel)(*tuple(_d.values())))

</pallas_src>

<mosaic_0001>
#map = affine_map<(d0, d1) -> (0)>
#map1 = affine_map<(d0, d1) -> (0, 0)>
module attributes {stable_mosaic.version = 14 : i64} {
  func.func @_gather_rows(%arg0: i32, %arg1: i32, %arg2: memref<32768xi32, #tpu.memory_space<hbm>>, %arg3: memref<8192x1024xf32, #tpu.memory_space<hbm>>, %arg4: memref<32768x1024xf32, #tpu.memory_space<hbm>>, %arg5: memref<1024xi32, #tpu.memory_space<vmem>>, %arg6: memref<6x16x1024xf32, #tpu.memory_space<vmem>>, %arg7: memref<!tpu.dma_semaphore, #tpu.memory_space<semaphore_mem>>, %arg8: memref<!tpu.dma_semaphore, #tpu.memory_space<semaphore_mem>>, %arg9: memref<!tpu.dma_semaphore, #tpu.memory_space<semaphore_mem>>, %arg10: memref<!tpu.dma_semaphore, #tpu.memory_space<semaphore_mem>>, %arg11: memref<!tpu.dma_semaphore, #tpu.memory_space<semaphore_mem>>, %arg12: memref<!tpu.dma_semaphore, #tpu.memory_space<semaphore_mem>>, %arg13: memref<!tpu.dma_semaphore, #tpu.memory_space<semaphore_mem>>, %arg14: memref<!tpu.dma_semaphore, #tpu.memory_space<semaphore_mem>>, %arg15: memref<!tpu.dma_semaphore, #tpu.memory_space<semaphore_mem>>, %arg16: memref<!tpu.dma_semaphore, #tpu.memory_space<semaphore_mem>>, %arg17: memref<!tpu.dma_semaphore, #tpu.memory_space<semaphore_mem>>, %arg18: memref<!tpu.dma_semaphore, #tpu.memory_space<semaphore_mem>>) attributes {dimension_semantics = [#tpu.dimension_semantics<core_parallel>, #tpu.dimension_semantics<subcore_parallel>], iteration_bounds = array<i64: 2, 16>, scalar_prefetch = 0 : i64, scratch_operands = 14 : i64, tpu.core_type = #tpu.core_type<sc_vector_subcore>, window_params = [{transform_indices = #map}, {transform_indices = #map1}, {transform_indices = #map1}]} {
    %mul3A = arith.constant 2 : i32
    %mul3A_0 = arith.muli %arg1, %mul3A : i32
    %add3A = arith.addi %mul3A_0, %arg0 : i32
    %mul3A_1 = arith.constant 1024 : i32
    %mul3A_2 = arith.muli %add3A, %mul3A_1 : i32
    "tpu.region"() ({
      %run_scoped3A = tpu.sem_alloc : memref<!tpu.dma_semaphore, #tpu.memory_space<semaphore_mem>>
      %dma_start3A_487 = tpu.memref_slice %arg2[%mul3A_2] : memref<32768xi32, #tpu.memory_space<hbm>> -> memref<1024xi32, #tpu.memory_space<hbm>>
      %dma_start3A_488 = tpu.memref_slice %arg2[%mul3A_2] : memref<32768xi32, #tpu.memory_space<hbm>> -> memref<1024xi32, #tpu.memory_space<hbm>>
      tpu.enqueue_dma source(%dma_start3A_488 : memref<1024xi32, #tpu.memory_space<hbm>>) target(%arg5 : memref<1024xi32, #tpu.memory_space<vmem>>) target_semaphore(%run_scoped3A : memref<!tpu.dma_semaphore, #tpu.memory_space<semaphore_mem>>)
      %dma_wait3A_489 = tpu.memref_slice %arg2[%mul3A_2] : memref<32768xi32, #tpu.memory_space<hbm>> -> memref<1024xi32, #tpu.memory_space<hbm>>
      %dma_wait3A_490 = tpu.memref_slice %arg2[%mul3A_2] : memref<32768xi32, #tpu.memory_space<hbm>> -> memref<1024xi32, #tpu.memory_space<hbm>>
      tpu.wait_dma2 semaphore(%run_scoped3A : memref<!tpu.dma_semaphore, #tpu.memory_space<semaphore_mem>>) src(%dma_wait3A_490 : memref<1024xi32, #tpu.memory_space<hbm>>) dst(%arg5 : memref<1024xi32, #tpu.memory_space<vmem>>)
      tpu.yield
    }) : () -> ()
    %dma_start3A = arith.constant 0 : i32
    %dma_start3A_3 = arith.constant 0 : i32
    %dma_start3A_4 = arith.constant 0 : i32
    %dma_start3A_5 = tpu.memref_slice %arg6[%dma_start3A, %dma_start3A_3, %dma_start3A_4] : memref<6x16x1024xf32, #tpu.memory_space<vmem>> -> memref<1x16x1024xf32, #tpu.memory_space<vmem>>
    %dma_start3A_6 = tpu.memref_squeeze %dma_start3A_5 : memref<1x16x1024xf32, #tpu.memory_space<vmem>> -> memref<16x1024xf32, #tpu.memory_space<vmem>>
    %dma_start3A_7 = arith.constant 0 : i32
    %dma_start3A_8 = tpu.memref_slice %arg5[%dma_start3A_7] : memref<1024xi32, #tpu.memory_space<vmem>> -> memref<16xi32, #tpu.memory_space<vmem>>
    %dma_start3A_9 = arith.constant 0 : i32
    %dma_start3A_10 = arith.constant 0 : i32
    %dma_start3A_11 = tpu.memref_slice %arg3[%dma_start3A_9, %dma_start3A_10] : memref<8192x1024xf32, #tpu.memory_space<hbm>> -> memref<8192x1024xf32, #tpu.memory_space<hbm>>
    tpu.enqueue_indirect_dma source(%dma_start3A_11 : memref<8192x1024xf32, #tpu.memory_space<hbm>>) target(%dma_start3A_6 : memref<16x1024xf32, #tpu.memory_space<vmem>>) offsets(%dma_start3A_8 : memref<16xi32, #tpu.memory_space<vmem>>) semaphore(%arg7 : memref<!tpu.dma_semaphore, #tpu.memory_space<semaphore_mem>>)
    %dma_start3A_12 = arith.constant 1 : i32
    %dma_start3A_13 = arith.constant 0 : i32
    %dma_start3A_14 = arith.constant 0 : i32
    %dma_start3A_15 = tpu.memref_slice %arg6[%dma_start3A_12, %dma_start3A_13, %dma_start3A_14] : memref<6x16x1024xf32, #tpu.memory_space<vmem>> -> memref<1x16x1024xf32, #tpu.memory_space<vmem>>
    %dma_start3A_16 = tpu.memref_squeeze %dma_start3A_15 : memref<1x16x1024xf32, #tpu.memory_space<vmem>> -> memref<16x1024xf32, #tpu.memory_space<vmem>>
    %dma_start3A_17 = arith.constant 16 : i32
    %dma_start3A_18 = tpu.memref_slice %arg5[%dma_start3A_17] : memref<1024xi32, #tpu.memory_space<vmem>> -> memref<16xi32, #tpu.memory_space<vmem>>
    %dma_start3A_19 = arith.constant 0 : i32
    %dma_start3A_20 = arith.constant 0 : i32
    %dma_start3A_21 = tpu.memref_slice %arg3[%dma_start3A_19, %dma_start3A_20] : memref<8192x1024xf32, #tpu.memory_space<hbm>> -> memref<8192x1024xf32, #tpu.memory_space<hbm>>
    tpu.enqueue_indirect_dma source(%dma_start3A_21 : memref<8192x1024xf32, #tpu.memory_space<hbm>>) target(%dma_start3A_16 : memref<16x1024xf32, #tpu.memory_space<vmem>>) offsets(%dma_start3A_18 : memref<16xi32, #tpu.memory_space<vmem>>) semaphore(%arg8 : memref<!tpu.dma_semaphore, #tpu.memory_space<semaphore_mem>>)
    %dma_start3A_22 = arith.constant 2 : i32
    %dma_start3A_23 = arith.constant 0 : i32
    %dma_start3A_24 = arith.constant 0 : i32
    %dma_start3A_25 = tpu.memref_slice %arg6[%dma_start3A_22, %dma_start3A_23, %dma_start3A_24] : memref<6x16x1024xf32, #tpu.memory_space<vmem>> -> memref<1x16x1024xf32, #tpu.memory_space<vmem>>
    %dma_start3A_26 = tpu.memref_squeeze %dma_start3A_25 : memref<1x16x1024xf32, #tpu.memory_space<vmem>> -> memref<16x1024xf32, #tpu.memory_space<vmem>>
    %dma_start3A_27 = arith.constant 32 : i32
    %dma_start3A_28 = tpu.memref_slice %arg5[%dma_start3A_27] : memref<1024xi32, #tpu.memory_space<vmem>> -> memref<16xi32, #tpu.memory_space<vmem>>
    %dma_start3A_29 = arith.constant 0 : i32
    %dma_start3A_30 = arith.constant 0 : i32
    %dma_start3A_31 = tpu.memref_slice %arg3[%dma_start3A_29, %dma_start3A_30] : memref<8192x1024xf32, #tpu.memory_space<hbm>> -> memref<8192x1024xf32, #tpu.memory_space<hbm>>
    tpu.enqueue_indirect_dma source(%dma_start3A_31 : memref<8192x1024xf32, #tpu.memory_space<hbm>>) target(%dma_start3A_26 : memref<16x1024xf32, #tpu.memory_space<vmem>>) offsets(%dma_start3A_28 : memref<16xi32, #tpu.memory_space<vmem>>) semaphore(%arg9 : memref<!tpu.dma_semaphore, #tpu.memory_space<semaphore_mem>>)
    %dma_start3A_32 = arith.constant 3 : i32
    %dma_start3A_33 = arith.constant 0 : i32
    %dma_start3A_34 = arith.constant 0 : i32
    %dma_start3A_35 = tpu.memref_slice %arg6[%dma_start3A_32, %dma_start3A_33, %dma_start3A_34] : memref<6x16x1024xf32, #tpu.memory_space<vmem>> -> memref<1x16x1024xf32, #tpu.memory_space<vmem>>
    %dma_start3A_36 = tpu.memref_squeeze %dma_start3A_35 : memref<1x16x1024xf32, #tpu.memory_space<vmem>> -> memref<16x1024xf32, #tpu.memory_space<vmem>>
    %dma_start3A_37 = arith.constant 48 : i32
    %dma_start3A_38 = tpu.memref_slice %arg5[%dma_start3A_37] : memref<1024xi32, #tpu.memory_space<vmem>> -> memref<16xi32, #tpu.memory_space<vmem>>
    %dma_start3A_39 = arith.constant 0 : i32
    %dma_start3A_40 = arith.constant 0 : i32
    %dma_start3A_41 = tpu.memref_slice %arg3[%dma_start3A_39, %dma_start3A_40] : memref<8192x1024xf32, #tpu.memory_space<hbm>> -> memref<8192x1024xf32, #tpu.memory_space<hbm>>
    tpu.enqueue_indirect_dma source(%dma_start3A_41 : memref<8192x1024xf32, #tpu.memory_space<hbm>>) target(%dma_start3A_36 : memref<16x1024xf32, #tpu.memory_space<vmem>>) offsets(%dma_start3A_38 : memref<16xi32, #tpu.memory_space<vmem>>) semaphore(%arg10 : memref<!tpu.dma_semaphore, #tpu.memory_space<semaphore_mem>>)
    %dma_wait3A = arith.constant 0 : i32
    %dma_wait3A_42 = arith.constant 0 : i32
    %dma_wait3A_43 = arith.constant 0 : i32
    %dma_wait3A_44 = tpu.memref_slice %arg6[%dma_wait3A, %dma_wait3A_42, %dma_wait3A_43] : memref<6x16x1024xf32, #tpu.memory_space<vmem>> -> memref<1x16x1024xf32, #tpu.memory_space<vmem>>
    %dma_wait3A_45 = tpu.memref_squeeze %dma_wait3A_44 : memref<1x16x1024xf32, #tpu.memory_space<vmem>> -> memref<16x1024xf32, #tpu.memory_space<vmem>>
    %dma_wait3A_46 = arith.constant 0 : i32
    %dma_wait3A_47 = tpu.memref_slice %arg5[%dma_wait3A_46] : memref<1024xi32, #tpu.memory_space<vmem>> -> memref<16xi32, #tpu.memory_space<vmem>>
    %dma_wait3A_48 = arith.constant 0 : i32
    %dma_wait3A_49 = arith.constant 0 : i32
    %dma_wait3A_50 = tpu.memref_slice %arg3[%dma_wait3A_48, %dma_wait3A_49] : memref<8192x1024xf32, #tpu.memory_space<hbm>> -> memref<8192x1024xf32, #tpu.memory_space<hbm>>
    tpu.wait_indirect_dma semaphore(%arg7 : memref<!tpu.dma_semaphore, #tpu.memory_space<semaphore_mem>>) src(%dma_wait3A_50 : memref<8192x1024xf32, #tpu.memory_space<hbm>>) dst(%dma_wait3A_45 : memref<16x1024xf32, #tpu.memory_space<vmem>>)
    %add3A_51 = arith.constant 0 : i32
    %add3A_52 = arith.addi %mul3A_2, %add3A_51 : i32
    %dma_start3A_53 = arith.constant 0 : i32
    %dma_start3A_54 = arith.constant 0 : i32
    %dma_start3A_55 = arith.constant 0 : i32
    %dma_start3A_56 = tpu.memref_slice %arg6[%dma_start3A_53, %dma_start3A_54, %dma_start3A_55] : memref<6x16x1024xf32, #tpu.memory_space<vmem>> -> memref<1x16x1024xf32, #tpu.memory_space<vmem>>
    %dma_start3A_57 = tpu.memref_squeeze %dma_start3A_56 : memref<1x16x1024xf32, #tpu.memory_space<vmem>> -> memref<16x1024xf32, #tpu.memory_space<vmem>>
    %dma_start3A_58 = arith.constant 0 : i32
    %dma_start3A_59 = tpu.memref_slice %arg4[%add3A_52, %dma_start3A_58] : memref<32768x1024xf32, #tpu.memory_space<hbm>> -> memref<16x1024xf32, #tpu.memory_space<hbm>>
    %dma_start3A_60 = arith.constant 0 : i32
    %dma_start3A_61 = tpu.memref_slice %arg4[%add3A_52, %dma_start3A_60] : memref<32768x1024xf32, #tpu.memory_space<hbm>> -> memref<16x1024xf32, #tpu.memory_space<hbm>>
    %dma_start3A_62 = arith.constant 0 : i32
    %dma_start3A_63 = arith.constant 0 : i32
    %dma_start3A_64 = tpu.memref_slice %arg6[%dma_start3A_53, %dma_start3A_62, %dma_start3A_63] : memref<6x16x1024xf32, #tpu.memory_space<vmem>> -> memref<1x16x1024xf32, #tpu.memory_space<vmem>>
    %dma_start3A_65 = tpu.memref_squeeze %dma_start3A_64 : memref<1x16x1024xf32, #tpu.memory_space<vmem>> -> memref<16x1024xf32, #tpu.memory_space<vmem>>
    tpu.enqueue_dma source(%dma_start3A_65 : memref<16x1024xf32, #tpu.memory_space<vmem>>) target(%dma_start3A_61 : memref<16x1024xf32, #tpu.memory_space<hbm>>) target_semaphore(%arg13 : memref<!tpu.dma_semaphore, #tpu.memory_space<semaphore_mem>>)
    %dma_start3A_66 = arith.constant 4 : i32
    %dma_start3A_67 = arith.constant 0 : i32
    %dma_start3A_68 = arith.constant 0 : i32
    %dma_start3A_69 = tpu.memref_slice %arg6[%dma_start3A_66, %dma_start3A_67, %dma_start3A_68] : memref<6x16x1024xf32, #tpu.memory_space<vmem>> -> memref<1x16x1024xf32, #tpu.memory_space<vmem>>
    %dma_start3A_70 = tpu.memref_squeeze %dma_start3A_69 : memref<1x16x1024xf32, #tpu.memory_space<vmem>> -> memref<16x1024xf32, #tpu.memory_space<vmem>>
    %dma_start3A_71 = arith.constant 64 : i32
    %dma_start3A_72 = tpu.memref_slice %arg5[%dma_start3A_71] : memref<1024xi32, #tpu.memory_space<vmem>> -> memref<16xi32, #tpu.memory_space<vmem>>
    %dma_start3A_73 = arith.constant 0 : i32
    %dma_start3A_74 = arith.constant 0 : i32
    %dma_start3A_75 = tpu.memref_slice %arg3[%dma_start3A_73, %dma_start3A_74] : memref<8192x1024xf32, #tpu.memory_space<hbm>> -> memref<8192x1024xf32, #tpu.memory_space<hbm>>
    tpu.enqueue_indirect_dma source(%dma_start3A_75 : memref<8192x1024xf32, #tpu.memory_space<hbm>>) target(%dma_start3A_70 : memref<16x1024xf32, #tpu.memory_space<vmem>>) offsets(%dma_start3A_72 : memref<16xi32, #tpu.memory_space<vmem>>) semaphore(%arg11 : memref<!tpu.dma_semaphore, #tpu.memory_space<semaphore_mem>>)
    %dma_wait3A_76 = arith.constant 1 : i32
    %dma_wait3A_77 = arith.constant 0 : i32
    %dma_wait3A_78 = arith.constant 0 : i32
    %dma_wait3A_79 = tpu.memref_slice %arg6[%dma_wait3A_76, %dma_wait3A_77, %dma_wait3A_78] : memref<6x16x1024xf32, #tpu.memory_space<vmem>> -> memref<1x16x1024xf32, #tpu.memory_space<vmem>>
    %dma_wait3A_80 = tpu.memref_squeeze %dma_wait3A_79 : memref<1x16x1024xf32, #tpu.memory_space<vmem>> -> memref<16x1024xf32, #tpu.memory_space<vmem>>
    %dma_wait3A_81 = arith.constant 16 : i32
    %dma_wait3A_82 = tpu.memref_slice %arg5[%dma_wait3A_81] : memref<1024xi32, #tpu.memory_space<vmem>> -> memref<16xi32, #tpu.memory_space<vmem>>
    %dma_wait3A_83 = arith.constant 0 : i32
    %dma_wait3A_84 = arith.constant 0 : i32
    %dma_wait3A_85 = tpu.memref_slice %arg3[%dma_wait3A_83, %dma_wait3A_84] : memref<8192x1024xf32, #tpu.memory_space<hbm>> -> memref<8192x1024xf32, #tpu.memory_space<hbm>>
    tpu.wait_indirect_dma semaphore(%arg8 : memref<!tpu.dma_semaphore, #tpu.memory_space<semaphore_mem>>) src(%dma_wait3A_85 : memref<8192x1024xf32, #tpu.memory_space<hbm>>) dst(%dma_wait3A_80 : memref<16x1024xf32, #tpu.memory_space<vmem>>)
    %add3A_86 = arith.constant 16 : i32
    %add3A_87 = arith.addi %mul3A_2, %add3A_86 : i32
    %dma_start3A_88 = arith.constant 1 : i32
    %dma_start3A_89 = arith.constant 0 : i32
    %dma_start3A_90 = arith.constant 0 : i32
    %dma_start3A_91 = tpu.memref_slice %arg6[%dma_start3A_88, %dma_start3A_89, %dma_start3A_90] : memref<6x16x1024xf32, #tpu.memory_space<vmem>> -> memref<1x16x1024xf32, #tpu.memory_space<vmem>>
    %dma_start3A_92 = tpu.memref_squeeze %dma_start3A_91 : memref<1x16x1024xf32, #tpu.memory_space<vmem>> -> memref<16x1024xf32, #tpu.memory_space<vmem>>
    %dma_start3A_93 = arith.constant 0 : i32
    %dma_start3A_94 = tpu.memref_slice %arg4[%add3A_87, %dma_start3A_93] : memref<32768x1024xf32, #tpu.memory_space<hbm>> -> memref<16x1024xf32, #tpu.memory_space<hbm>>
    %dma_start3A_95 = arith.constant 0 : i32
    %dma_start3A_96 = tpu.memref_slice %arg4[%add3A_87, %dma_start3A_95] : memref<32768x1024xf32, #tpu.memory_space<hbm>> -> memref<16x1024xf32, #tpu.memory_space<hbm>>
    %dma_start3A_97 = arith.constant 0 : i32
    %dma_start3A_98 = arith.constant 0 : i32
    %dma_start3A_99 = tpu.memref_slice %arg6[%dma_start3A_88, %dma_start3A_97, %dma_start3A_98] : memref<6x16x1024xf32, #tpu.memory_space<vmem>> -> memref<1x16x1024xf32, #tpu.memory_space<vmem>>
    %dma_start3A_100 = tpu.memref_squeeze %dma_start3A_99 : memref<1x16x1024xf32, #tpu.memory_space<vmem>> -> memref<16x1024xf32, #tpu.memory_space<vmem>>
    tpu.enqueue_dma source(%dma_start3A_100 : memref<16x1024xf32, #tpu.memory_space<vmem>>) target(%dma_start3A_96 : memref<16x1024xf32, #tpu.memory_space<hbm>>) target_semaphore(%arg14 : memref<!tpu.dma_semaphore, #tpu.memory_space<semaphore_mem>>)
    %dma_start3A_101 = arith.constant 5 : i32
    %dma_start3A_102 = arith.constant 0 : i32
    %dma_start3A_103 = arith.constant 0 : i32
    %dma_start3A_104 = tpu.memref_slice %arg6[%dma_start3A_101, %dma_start3A_102, %dma_start3A_103] : memref<6x16x1024xf32, #tpu.memory_space<vmem>> -> memref<1x16x1024xf32, #tpu.memory_space<vmem>>
    %dma_start3A_105 = tpu.memref_squeeze %dma_start3A_104 : memref<1x16x1024xf32, #tpu.memory_space<vmem>> -> memref<16x1024xf32, #tpu.memory_space<vmem>>
    %dma_start3A_106 = arith.constant 80 : i32
    %dma_start3A_107 = tpu.memref_slice %arg5[%dma_start3A_106] : memref<1024xi32, #tpu.memory_space<vmem>> -> memref<16xi32, #tpu.memory_space<vmem>>
    %dma_start3A_108 = arith.constant 0 : i32
    %dma_start3A_109 = arith.constant 0 : i32
    %dma_start3A_110 = tpu.memref_slice %arg3[%dma_start3A_108, %dma_start3A_109] : memref<8192x1024xf32, #tpu.memory_space<hbm>> -> memref<8192x1024xf32, #tpu.memory_space<hbm>>
    tpu.enqueue_indirect_dma source(%dma_start3A_110 : memref<8192x1024xf32, #tpu.memory_space<hbm>>) target(%dma_start3A_105 : memref<16x1024xf32, #tpu.memory_space<vmem>>) offsets(%dma_start3A_107 : memref<16xi32, #tpu.memory_space<vmem>>) semaphore(%arg12 : memref<!tpu.dma_semaphore, #tpu.memory_space<semaphore_mem>>)
    %scan3A = arith.constant 0 : i32
    %scan3A_111 = arith.constant 0 : i32
    %scan3A_112 = arith.constant 9 : i32
    %scan3A_113 = arith.addi %scan3A_111, %scan3A_112 : i32
    %scan3A_114 = arith.constant 1 : i32
    %scan3A_115 = scf.for %scan3A_487 = %scan3A_111 to %scan3A_113 step %scan3A_114 iter_args(%scan3A_488 = %scan3A) -> (i32)  : i32 {
      %mul3A_489 = arith.constant 6 : i32
      %mul3A_490 = arith.muli %scan3A_487, %mul3A_489 : i32
      %add3A_491 = arith.constant 2 : i32
      %add3A_492 = arith.addi %add3A_491, %mul3A_490 : i32
      %add3A_493 = arith.constant 0 : i32
      %add3A_494 = arith.addi %add3A_492, %add3A_493 : i32
      %mul3A_495 = arith.constant 16 : i32
      %mul3A_496 = arith.muli %add3A_494, %mul3A_495 : i32
      %dma_wait3A_497 = arith.constant 2 : i32
      %dma_wait3A_498 = arith.constant 0 : i32
      %dma_wait3A_499 = arith.constant 0 : i32
      %dma_wait3A_500 = tpu.memref_slice %arg6[%dma_wait3A_497, %dma_wait3A_498, %dma_wait3A_499] : memref<6x16x1024xf32, #tpu.memory_space<vmem>> -> memref<1x16x1024xf32, #tpu.memory_space<vmem>>
      %dma_wait3A_501 = tpu.memref_squeeze %dma_wait3A_500 : memref<1x16x1024xf32, #tpu.memory_space<vmem>> -> memref<16x1024xf32, #tpu.memory_space<vmem>>
      %dma_wait3A_502 = tpu.memref_slice %arg5[%mul3A_496] : memref<1024xi32, #tpu.memory_space<vmem>> -> memref<16xi32, #tpu.memory_space<vmem>>
      %dma_wait3A_503 = arith.constant 0 : i32
      %dma_wait3A_504 = arith.constant 0 : i32
      %dma_wait3A_505 = tpu.memref_slice %arg3[%dma_wait3A_503, %dma_wait3A_504] : memref<8192x1024xf32, #tpu.memory_space<hbm>> -> memref<8192x1024xf32, #tpu.memory_space<hbm>>
      tpu.wait_indirect_dma semaphore(%arg9 : memref<!tpu.dma_semaphore, #tpu.memory_space<semaphore_mem>>) src(%dma_wait3A_505 : memref<8192x1024xf32, #tpu.memory_space<hbm>>) dst(%dma_wait3A_501 : memref<16x1024xf32, #tpu.memory_space<vmem>>)
      %mul3A_506 = arith.constant 16 : i32
      %mul3A_507 = arith.muli %add3A_494, %mul3A_506 : i32
      %add3A_508 = arith.addi %mul3A_2, %mul3A_507 : i32
      %dma_start3A_509 = arith.constant 2 : i32
      %dma_start3A_510 = arith.constant 0 : i32
      %dma_start3A_511 = arith.constant 0 : i32
      %dma_start3A_512 = tpu.memref_slice %arg6[%dma_start3A_509, %dma_start3A_510, %dma_start3A_511] : memref<6x16x1024xf32, #tpu.memory_space<vmem>> -> memref<1x16x1024xf32, #tpu.memory_space<vmem>>
      %dma_start3A_513 = tpu.memref_squeeze %dma_start3A_512 : memref<1x16x1024xf32, #tpu.memory_space<vmem>> -> memref<16x1024xf32, #tpu.memory_space<vmem>>
      %dma_start3A_514 = arith.constant 0 : i32
      %dma_start3A_515 = tpu.memref_slice %arg4[%add3A_508, %dma_start3A_514] : memref<32768x1024xf32, #tpu.memory_space<hbm>> -> memref<16x1024xf32, #tpu.memory_space<hbm>>
      %dma_start3A_516 = arith.constant 0 : i32
      %dma_start3A_517 = tpu.memref_slice %arg4[%add3A_508, %dma_start3A_516] : memref<32768x1024xf32, #tpu.memory_space<hbm>> -> memref<16x1024xf32, #tpu.memory_space<hbm>>
      %dma_start3A_518 = arith.constant 0 : i32
      %dma_start3A_519 = arith.constant 0 : i32
      %dma_start3A_520 = tpu.memref_slice %arg6[%dma_start3A_509, %dma_start3A_518, %dma_start3A_519] : memref<6x16x1024xf32, #tpu.memory_space<vmem>> -> memref<1x16x1024xf32, #tpu.memory_space<vmem>>
      %dma_start3A_521 = tpu.memref_squeeze %dma_start3A_520 : memref<1x16x1024xf32, #tpu.memory_space<vmem>> -> memref<16x1024xf32, #tpu.memory_space<vmem>>
      tpu.enqueue_dma source(%dma_start3A_521 : memref<16x1024xf32, #tpu.memory_space<vmem>>) target(%dma_start3A_517 : memref<16x1024xf32, #tpu.memory_space<hbm>>) target_semaphore(%arg15 : memref<!tpu.dma_semaphore, #tpu.memory_space<semaphore_mem>>)
      %dma_wait3A_522 = arith.constant 0 : i32
      %dma_wait3A_523 = arith.constant 0 : i32
      %dma_wait3A_524 = arith.constant 0 : i32
      %dma_wait3A_525 = tpu.memref_slice %arg6[%dma_wait3A_522, %dma_wait3A_523, %dma_wait3A_524] : memref<6x16x1024xf32, #tpu.memory_space<vmem>> -> memref<1x16x1024xf32, #tpu.memory_space<vmem>>
      %dma_wait3A_526 = tpu.memref_squeeze %dma_wait3A_525 : memref<1x16x1024xf32, #tpu.memory_space<vmem>> -> memref<16x1024xf32, #tpu.memory_space<vmem>>
      %dma_wait3A_527 = arith.constant 0 : i32
      %dma_wait3A_528 = tpu.memref_slice %arg4[%mul3A_2, %dma_wait3A_527] : memref<32768x1024xf32, #tpu.memory_space<hbm>> -> memref<16x1024xf32, #tpu.memory_space<hbm>>
      %dma_wait3A_529 = arith.constant 0 : i32
      %dma_wait3A_530 = tpu.memref_slice %arg4[%mul3A_2, %dma_wait3A_529] : memref<32768x1024xf32, #tpu.memory_space<hbm>> -> memref<16x1024xf32, #tpu.memory_space<hbm>>
      %dma_wait3A_531 = arith.constant 0 : i32
      %dma_wait3A_532 = arith.constant 0 : i32
      %dma_wait3A_533 = tpu.memref_slice %arg6[%dma_wait3A_522, %dma_wait3A_531, %dma_wait3A_532] : memref<6x16x1024xf32, #tpu.memory_space<vmem>> -> memref<1x16x1024xf32, #tpu.memory_space<vmem>>
      %dma_wait3A_534 = tpu.memref_squeeze %dma_wait3A_533 : memref<1x16x1024xf32, #tpu.memory_space<vmem>> -> memref<16x1024xf32, #tpu.memory_space<vmem>>
      tpu.wait_dma2 semaphore(%arg13 : memref<!tpu.dma_semaphore, #tpu.memory_space<semaphore_mem>>) src(%dma_wait3A_534 : memref<16x1024xf32, #tpu.memory_space<vmem>>) dst(%dma_wait3A_530 : memref<16x1024xf32, #tpu.memory_space<hbm>>)
      %add3A_535 = arith.constant 4 : i32
      %add3A_536 = arith.addi %add3A_494, %add3A_535 : i32
      %mul3A_537 = arith.constant 16 : i32
      %mul3A_538 = arith.muli %add3A_536, %mul3A_537 : i32
      %dma_start3A_539 = arith.constant 0 : i32
      %dma_start3A_540 = arith.constant 0 : i32
      %dma_start3A_541 = arith.constant 0 : i32
      %dma_start3A_542 = tpu.memref_slice %arg6[%dma_start3A_539, %dma_start3A_540, %dma_start3A_541] : memref<6x16x1024xf32, #tpu.memory_space<vmem>> -> memref<1x16x1024xf32, #tpu.memory_space<vmem>>
      %dma_start3A_543 = tpu.memref_squeeze %dma_start3A_542 : memref<1x16x1024xf32, #tpu.memory_space<vmem>> -> memref<16x1024xf32, #tpu.memory_space<vmem>>
      %dma_start3A_544 = tpu.memref_slice %arg5[%mul3A_538] : memref<1024xi32, #tpu.memory_space<vmem>> -> memref<16xi32, #tpu.memory_space<vmem>>
      %dma_start3A_545 = arith.constant 0 : i32
      %dma_start3A_546 = arith.constant 0 : i32
      %dma_start3A_547 = tpu.memref_slice %arg3[%dma_start3A_545, %dma_start3A_546] : memref<8192x1024xf32, #tpu.memory_space<hbm>> -> memref<8192x1024xf32, #tpu.memory_space<hbm>>
      tpu.enqueue_indirect_dma source(%dma_start3A_547 : memref<8192x1024xf32, #tpu.memory_space<hbm>>) target(%dma_start3A_543 : memref<16x1024xf32, #tpu.memory_space<vmem>>) offsets(%dma_start3A_544 : memref<16xi32, #tpu.memory_space<vmem>>) semaphore(%arg7 : memref<!tpu.dma_semaphore, #tpu.memory_space<semaphore_mem>>)
      %mul3A_548 = arith.constant 6 : i32
      %mul3A_549 = arith.muli %scan3A_487, %mul3A_548 : i32
      %add3A_550 = arith.constant 2 : i32
      %add3A_551 = arith.addi %add3A_550, %mul3A_549 : i32
      %add3A_552 = arith.constant 1 : i32
      %add3A_553 = arith.addi %add3A_551, %add3A_552 : i32
      %mul3A_554 = arith.constant 16 : i32
      %mul3A_555 = arith.muli %add3A_553, %mul3A_554 : i32
      %dma_wait3A_556 = arith.constant 3 : i32
      %dma_wait3A_557 = arith.constant 0 : i32
      %dma_wait3A_558 = arith.constant 0 : i32
      %dma_wait3A_559 = tpu.memref_slice %arg6[%dma_wait3A_556, %dma_wait3A_557, %dma_wait3A_558] : memref<6x16x1024xf32, #tpu.memory_space<vmem>> -> memref<1x16x1024xf32, #tpu.memory_space<vmem>>
      %dma_wait3A_560 = tpu.memref_squeeze %dma_wait3A_559 : memref<1x16x1024xf32, #tpu.memory_space<vmem>> -> memref<16x1024xf32, #tpu.memory_space<vmem>>
      %dma_wait3A_561 = tpu.memref_slice %arg5[%mul3A_555] : memref<1024xi32, #tpu.memory_space<vmem>> -> memref<16xi32, #tpu.memory_space<vmem>>
      %dma_wait3A_562 = arith.constant 0 : i32
      %dma_wait3A_563 = arith.constant 0 : i32
      %dma_wait3A_564 = tpu.memref_slice %arg3[%dma_wait3A_562, %dma_wait3A_563] : memref<8192x1024xf32, #tpu.memory_space<hbm>> -> memref<8192x1024xf32, #tpu.memory_space<hbm>>
      tpu.wait_indirect_dma semaphore(%arg10 : memref<!tpu.dma_semaphore, #tpu.memory_space<semaphore_mem>>) src(%dma_wait3A_564 : memref<8192x1024xf32, #tpu.memory_space<hbm>>) dst(%dma_wait3A_560 : memref<16x1024xf32, #tpu.memory_space<vmem>>)
      %mul3A_565 = arith.constant 16 : i32
      %mul3A_566 = arith.muli %add3A_553, %mul3A_565 : i32
      %add3A_567 = arith.addi %mul3A_2, %mul3A_566 : i32
      %dma_start3A_568 = arith.constant 3 : i32
      %dma_start3A_569 = arith.constant 0 : i32
      %dma_start3A_570 = arith.constant 0 : i32
      %dma_start3A_571 = tpu.memref_slice %arg6[%dma_start3A_568, %dma_start3A_569, %dma_start3A_570] : memref<6x16x1024xf32, #tpu.memory_space<vmem>> -> memref<1x16x1024xf32, #tpu.memory_space<vmem>>
      %dma_start3A_572 = tpu.memref_squeeze %dma_start3A_571 : memref<1x16x1024xf32, #tpu.memory_space<vmem>> -> memref<16x1024xf32, #tpu.memory_space<vmem>>
      %dma_start3A_573 = arith.constant 0 : i32
      %dma_start3A_574 = tpu.memref_slice %arg4[%add3A_567, %dma_start3A_573] : memref<32768x1024xf32, #tpu.memory_space<hbm>> -> memref<16x1024xf32, #tpu.memory_space<hbm>>
      %dma_start3A_575 = arith.constant 0 : i32
      %dma_start3A_576 = tpu.memref_slice %arg4[%add3A_567, %dma_start3A_575] : memref<32768x1024xf32, #tpu.memory_space<hbm>> -> memref<16x1024xf32, #tpu.memory_space<hbm>>
      %dma_start3A_577 = arith.constant 0 : i32
      %dma_start3A_578 = arith.constant 0 : i32
      %dma_start3A_579 = tpu.memref_slice %arg6[%dma_start3A_568, %dma_start3A_577, %dma_start3A_578] : memref<6x16x1024xf32, #tpu.memory_space<vmem>> -> memref<1x16x1024xf32, #tpu.memory_space<vmem>>
      %dma_start3A_580 = tpu.memref_squeeze %dma_start3A_579 : memref<1x16x1024xf32, #tpu.memory_space<vmem>> -> memref<16x1024xf32, #tpu.memory_space<vmem>>
      tpu.enqueue_dma source(%dma_start3A_580 : memref<16x1024xf32, #tpu.memory_space<vmem>>) target(%dma_start3A_576 : memref<16x1024xf32, #tpu.memory_space<hbm>>) target_semaphore(%arg16 : memref<!tpu.dma_semaphore, #tpu.memory_space<semaphore_mem>>)
      %dma_wait3A_581 = arith.constant 1 : i32
      %dma_wait3A_582 = arith.constant 0 : i32
      %dma_wait3A_583 = arith.constant 0 : i32
      %dma_wait3A_584 = tpu.memref_slice %arg6[%dma_wait3A_581, %dma_wait3A_582, %dma_wait3A_583] : memref<6x16x1024xf32, #tpu.memory_space<vmem>> -> memref<1x16x1024xf32, #tpu.memory_space<vmem>>
      %dma_wait3A_585 = tpu.memref_squeeze %dma_wait3A_584 : memref<1x16x1024xf32, #tpu.memory_space<vmem>> -> memref<16x1024xf32, #tpu.memory_space<vmem>>
      %dma_wait3A_586 = arith.constant 0 : i32
      %dma_wait3A_587 = tpu.memref_slice %arg4[%mul3A_2, %dma_wait3A_586] : memref<32768x1024xf32, #tpu.memory_space<hbm>> -> memref<16x1024xf32, #tpu.memory_space<hbm>>
      %dma_wait3A_588 = arith.constant 0 : i32
      %dma_wait3A_589 = tpu.memref_slice %arg4[%mul3A_2, %dma_wait3A_588] : memref<32768x1024xf32, #tpu.memory_space<hbm>> -> memref<16x1024xf32, #tpu.memory_space<hbm>>
      %dma_wait3A_590 = arith.constant 0 : i32
      %dma_wait3A_591 = arith.constant 0 : i32
      %dma_wait3A_592 = tpu.memref_slice %arg6[%dma_wait3A_581, %dma_wait3A_590, %dma_wait3A_591] : memref<6x16x1024xf32, #tpu.memory_space<vmem>> -> memref<1x16x1024xf32, #tpu.memory_space<vmem>>
      %dma_wait3A_593 = tpu.memref_squeeze %dma_wait3A_592 : memref<1x16x1024xf32, #tpu.memory_space<vmem>> -> memref<16x1024xf32, #tpu.memory_space<vmem>>
      tpu.wait_dma2 semaphore(%arg14 : memref<!tpu.dma_semaphore, #tpu.memory_space<semaphore_mem>>) src(%dma_wait3A_593 : memref<16x1024xf32, #tpu.memory_space<vmem>>) dst(%dma_wait3A_589 : memref<16x1024xf32, #tpu.memory_space<hbm>>)
      %add3A_594 = arith.constant 4 : i32
      %add3A_595 = arith.addi %add3A_553, %add3A_594 : i32
      %mul3A_596 = arith.constant 16 : i32
      %mul3A_597 = arith.muli %add3A_595, %mul3A_596 : i32
      %dma_start3A_598 = arith.constant 1 : i32
      %dma_start3A_599 = arith.constant 0 : i32
      %dma_start3A_600 = arith.constant 0 : i32
      %dma_start3A_601 = tpu.memref_slice %arg6[%dma_start3A_598, %dma_start3A_599, %dma_start3A_600] : memref<6x16x1024xf32, #tpu.memory_space<vmem>> -> memref<1x16x1024xf32, #tpu.memory_space<vmem>>
      %dma_start3A_602 = tpu.memref_squeeze %dma_start3A_601 : memref<1x16x1024xf32, #tpu.memory_space<vmem>> -> memref<16x1024xf32, #tpu.memory_space<vmem>>
      %dma_start3A_603 = tpu.memref_slice %arg5[%mul3A_597] : memref<1024xi32, #tpu.memory_space<vmem>> -> memref<16xi32, #tpu.memory_space<vmem>>
      %dma_start3A_604 = arith.constant 0 : i32
      %dma_start3A_605 = arith.constant 0 : i32
      %dma_start3A_606 = tpu.memref_slice %arg3[%dma_start3A_604, %dma_start3A_605] : memref<8192x1024xf32, #tpu.memory_space<hbm>> -> memref<8192x1024xf32, #tpu.memory_space<hbm>>
      tpu.enqueue_indirect_dma source(%dma_start3A_606 : memref<8192x1024xf32, #tpu.memory_space<hbm>>) target(%dma_start3A_602 : memref<16x1024xf32, #tpu.memory_space<vmem>>) offsets(%dma_start3A_603 : memref<16xi32, #tpu.memory_space<vmem>>) semaphore(%arg8 : memref<!tpu.dma_semaphore, #tpu.memory_space<semaphore_mem>>)
      %mul3A_607 = arith.constant 6 : i32
      %mul3A_608 = arith.muli %scan3A_487, %mul3A_607 : i32
      %add3A_609 = arith.constant 2 : i32
      %add3A_610 = arith.addi %add3A_609, %mul3A_608 : i32
      %add3A_611 = arith.constant 2 : i32
      %add3A_612 = arith.addi %add3A_610, %add3A_611 : i32
      %mul3A_613 = arith.constant 16 : i32
      %mul3A_614 = arith.muli %add3A_612, %mul3A_613 : i32
      %dma_wait3A_615 = arith.constant 4 : i32
      %dma_wait3A_616 = arith.constant 0 : i32
      %dma_wait3A_617 = arith.constant 0 : i32
      %dma_wait3A_618 = tpu.memref_slice %arg6[%dma_wait3A_615, %dma_wait3A_616, %dma_wait3A_617] : memref<6x16x1024xf32, #tpu.memory_space<vmem>> -> memref<1x16x1024xf32, #tpu.memory_space<vmem>>
      %dma_wait3A_619 = tpu.memref_squeeze %dma_wait3A_618 : memref<1x16x1024xf32, #tpu.memory_space<vmem>> -> memref<16x1024xf32, #tpu.memory_space<vmem>>
      %dma_wait3A_620 = tpu.memref_slice %arg5[%mul3A_614] : memref<1024xi32, #tpu.memory_space<vmem>> -> memref<16xi32, #tpu.memory_space<vmem>>
      %dma_wait3A_621 = arith.constant 0 : i32
      %dma_wait3A_622 = arith.constant 0 : i32
      %dma_wait3A_623 = tpu.memref_slice %arg3[%dma_wait3A_621, %dma_wait3A_622] : memref<8192x1024xf32, #tpu.memory_space<hbm>> -> memref<8192x1024xf32, #tpu.memory_space<hbm>>
      tpu.wait_indirect_dma semaphore(%arg11 : memref<!tpu.dma_semaphore, #tpu.memory_space<semaphore_mem>>) src(%dma_wait3A_623 : memref<8192x1024xf32, #tpu.memory_space<hbm>>) dst(%dma_wait3A_619 : memref<16x1024xf32, #tpu.memory_space<vmem>>)
      %mul3A_624 = arith.constant 16 : i32
      %mul3A_625 = arith.muli %add3A_612, %mul3A_624 : i32
      %add3A_626 = arith.addi %mul3A_2, %mul3A_625 : i32
      %dma_start3A_627 = arith.constant 4 : i32
      %dma_start3A_628 = arith.constant 0 : i32
      %dma_start3A_629 = arith.constant 0 : i32
      %dma_start3A_630 = tpu.memref_slice %arg6[%dma_start3A_627, %dma_start3A_628, %dma_start3A_629] : memref<6x16x1024xf32, #tpu.memory_space<vmem>> -> memref<1x16x1024xf32, #tpu.memory_space<vmem>>
      %dma_start3A_631 = tpu.memref_squeeze %dma_start3A_630 : memref<1x16x1024xf32, #tpu.memory_space<vmem>> -> memref<16x1024xf32, #tpu.memory_space<vmem>>
      %dma_start3A_632 = arith.constant 0 : i32
      %dma_start3A_633 = tpu.memref_slice %arg4[%add3A_626, %dma_start3A_632] : memref<32768x1024xf32, #tpu.memory_space<hbm>> -> memref<16x1024xf32, #tpu.memory_space<hbm>>
      %dma_start3A_634 = arith.constant 0 : i32
      %dma_start3A_635 = tpu.memref_slice %arg4[%add3A_626, %dma_start3A_634] : memref<32768x1024xf32, #tpu.memory_space<hbm>> -> memref<16x1024xf32, #tpu.memory_space<hbm>>
      %dma_start3A_636 = arith.constant 0 : i32
      %dma_start3A_637 = arith.constant 0 : i32
      %dma_start3A_638 = tpu.memref_slice %arg6[%dma_start3A_627, %dma_start3A_636, %dma_start3A_637] : memref<6x16x1024xf32, #tpu.memory_space<vmem>> -> memref<1x16x1024xf32, #tpu.memory_space<vmem>>
      %dma_start3A_639 = tpu.memref_squeeze %dma_start3A_638 : memref<1x16x1024xf32, #tpu.memory_space<vmem>> -> memref<16x1024xf32, #tpu.memory_space<vmem>>
      tpu.enqueue_dma source(%dma_start3A_639 : memref<16x1024xf32, #tpu.memory_space<vmem>>) target(%dma_start3A_635 : memref<16x1024xf32, #tpu.memory_space<hbm>>) target_semaphore(%arg17 : memref<!tpu.dma_semaphore, #tpu.memory_space<semaphore_mem>>)
      %dma_wait3A_640 = arith.constant 2 : i32
      %dma_wait3A_641 = arith.constant 0 : i32
      %dma_wait3A_642 = arith.constant 0 : i32
      %dma_wait3A_643 = tpu.memref_slice %arg6[%dma_wait3A_640, %dma_wait3A_641, %dma_wait3A_642] : memref<6x16x1024xf32, #tpu.memory_space<vmem>> -> memref<1x16x1024xf32, #tpu.memory_space<vmem>>
      %dma_wait3A_644 = tpu.memref_squeeze %dma_wait3A_643 : memref<1x16x1024xf32, #tpu.memory_space<vmem>> -> memref<16x1024xf32, #tpu.memory_space<vmem>>
      %dma_wait3A_645 = arith.constant 0 : i32
      %dma_wait3A_646 = tpu.memref_slice %arg4[%mul3A_2, %dma_wait3A_645] : memref<32768x1024xf32, #tpu.memory_space<hbm>> -> memref<16x1024xf32, #tpu.memory_space<hbm>>
      %dma_wait3A_647 = arith.constant 0 : i32
      %dma_wait3A_648 = tpu.memref_slice %arg4[%mul3A_2, %dma_wait3A_647] : memref<32768x1024xf32, #tpu.memory_space<hbm>> -> memref<16x1024xf32, #tpu.memory_space<hbm>>
      %dma_wait3A_649 = arith.constant 0 : i32
      %dma_wait3A_650 = arith.constant 0 : i32
      %dma_wait3A_651 = tpu.memref_slice %arg6[%dma_wait3A_640, %dma_wait3A_649, %dma_wait3A_650] : memref<6x16x1024xf32, #tpu.memory_space<vmem>> -> memref<1x16x1024xf32, #tpu.memory_space<vmem>>
      %dma_wait3A_652 = tpu.memref_squeeze %dma_wait3A_651 : memref<1x16x1024xf32, #tpu.memory_space<vmem>> -> memref<16x1024xf32, #tpu.memory_space<vmem>>
      tpu.wait_dma2 semaphore(%arg15 : memref<!tpu.dma_semaphore, #tpu.memory_space<semaphore_mem>>) src(%dma_wait3A_652 : memref<16x1024xf32, #tpu.memory_space<vmem>>) dst(%dma_wait3A_648 : memref<16x1024xf32, #tpu.memory_space<hbm>>)
      %add3A_653 = arith.constant 4 : i32
      %add3A_654 = arith.addi %add3A_612, %add3A_653 : i32
      %mul3A_655 = arith.constant 16 : i32
      %mul3A_656 = arith.muli %add3A_654, %mul3A_655 : i32
      %dma_start3A_657 = arith.constant 2 : i32
      %dma_start3A_658 = arith.constant 0 : i32
      %dma_start3A_659 = arith.constant 0 : i32
      %dma_start3A_660 = tpu.memref_slice %arg6[%dma_start3A_657, %dma_start3A_658, %dma_start3A_659] : memref<6x16x1024xf32, #tpu.memory_space<vmem>> -> memref<1x16x1024xf32, #tpu.memory_space<vmem>>
      %dma_start3A_661 = tpu.memref_squeeze %dma_start3A_660 : memref<1x16x1024xf32, #tpu.memory_space<vmem>> -> memref<16x1024xf32, #tpu.memory_space<vmem>>
      %dma_start3A_662 = tpu.memref_slice %arg5[%mul3A_656] : memref<1024xi32, #tpu.memory_space<vmem>> -> memref<16xi32, #tpu.memory_space<vmem>>
      %dma_start3A_663 = arith.constant 0 : i32
      %dma_start3A_664 = arith.constant 0 : i32
      %dma_start3A_665 = tpu.memref_slice %arg3[%dma_start3A_663, %dma_start3A_664] : memref<8192x1024xf32, #tpu.memory_space<hbm>> -> memref<8192x1024xf32, #tpu.memory_space<hbm>>
      tpu.enqueue_indirect_dma source(%dma_start3A_665 : memref<8192x1024xf32, #tpu.memory_space<hbm>>) target(%dma_start3A_661 : memref<16x1024xf32, #tpu.memory_space<vmem>>) offsets(%dma_start3A_662 : memref<16xi32, #tpu.memory_space<vmem>>) semaphore(%arg9 : memref<!tpu.dma_semaphore, #tpu.memory_space<semaphore_mem>>)
      %mul3A_666 = arith.constant 6 : i32
      %mul3A_667 = arith.muli %scan3A_487, %mul3A_666 : i32
      %add3A_668 = arith.constant 2 : i32
      %add3A_669 = arith.addi %add3A_668, %mul3A_667 : i32
      %add3A_670 = arith.constant 3 : i32
      %add3A_671 = arith.addi %add3A_669, %add3A_670 : i32
      %mul3A_672 = arith.constant 16 : i32
      %mul3A_673 = arith.muli %add3A_671, %mul3A_672 : i32
      %dma_wait3A_674 = arith.constant 5 : i32
      %dma_wait3A_675 = arith.constant 0 : i32
      %dma_wait3A_676 = arith.constant 0 : i32
      %dma_wait3A_677 = tpu.memref_slice %arg6[%dma_wait3A_674, %dma_wait3A_675, %dma_wait3A_676] : memref<6x16x1024xf32, #tpu.memory_space<vmem>> -> memref<1x16x1024xf32, #tpu.memory_space<vmem>>
      %dma_wait3A_678 = tpu.memref_squeeze %dma_wait3A_677 : memref<1x16x1024xf32, #tpu.memory_space<vmem>> -> memref<16x1024xf32, #tpu.memory_space<vmem>>
      %dma_wait3A_679 = tpu.memref_slice %arg5[%mul3A_673] : memref<1024xi32, #tpu.memory_space<vmem>> -> memref<16xi32, #tpu.memory_space<vmem>>
      %dma_wait3A_680 = arith.constant 0 : i32
      %dma_wait3A_681 = arith.constant 0 : i32
      %dma_wait3A_682 = tpu.memref_slice %arg3[%dma_wait3A_680, %dma_wait3A_681] : memref<8192x1024xf32, #tpu.memory_space<hbm>> -> memref<8192x1024xf32, #tpu.memory_space<hbm>>
      tpu.wait_indirect_dma semaphore(%arg12 : memref<!tpu.dma_semaphore, #tpu.memory_space<semaphore_mem>>) src(%dma_wait3A_682 : memref<8192x1024xf32, #tpu.memory_space<hbm>>) dst(%dma_wait3A_678 : memref<16x1024xf32, #tpu.memory_space<vmem>>)
      %mul3A_683 = arith.constant 16 : i32
      %mul3A_684 = arith.muli %add3A_671, %mul3A_683 : i32
      %add3A_685 = arith.addi %mul3A_2, %mul3A_684 : i32
      %dma_start3A_686 = arith.constant 5 : i32
      %dma_start3A_687 = arith.constant 0 : i32
      %dma_start3A_688 = arith.constant 0 : i32
      %dma_start3A_689 = tpu.memref_slice %arg6[%dma_start3A_686, %dma_start3A_687, %dma_start3A_688] : memref<6x16x1024xf32, #tpu.memory_space<vmem>> -> memref<1x16x1024xf32, #tpu.memory_space<vmem>>
      %dma_start3A_690 = tpu.memref_squeeze %dma_start3A_689 : memref<1x16x1024xf32, #tpu.memory_space<vmem>> -> memref<16x1024xf32, #tpu.memory_space<vmem>>
      %dma_start3A_691 = arith.constant 0 : i32
      %dma_start3A_692 = tpu.memref_slice %arg4[%add3A_685, %dma_start3A_691] : memref<32768x1024xf32, #tpu.memory_space<hbm>> -> memref<16x1024xf32, #tpu.memory_space<hbm>>
      %dma_start3A_693 = arith.constant 0 : i32
      %dma_start3A_694 = tpu.memref_slice %arg4[%add3A_685, %dma_start3A_693] : memref<32768x1024xf32, #tpu.memory_space<hbm>> -> memref<16x1024xf32, #tpu.memory_space<hbm>>
      %dma_start3A_695 = arith.constant 0 : i32
      %dma_start3A_696 = arith.constant 0 : i32
      %dma_start3A_697 = tpu.memref_slice %arg6[%dma_start3A_686, %dma_start3A_695, %dma_start3A_696] : memref<6x16x1024xf32, #tpu.memory_space<vmem>> -> memref<1x16x1024xf32, #tpu.memory_space<vmem>>
      %dma_start3A_698 = tpu.memref_squeeze %dma_start3A_697 : memref<1x16x1024xf32, #tpu.memory_space<vmem>> -> memref<16x1024xf32, #tpu.memory_space<vmem>>
      tpu.enqueue_dma source(%dma_start3A_698 : memref<16x1024xf32, #tpu.memory_space<vmem>>) target(%dma_start3A_694 : memref<16x1024xf32, #tpu.memory_space<hbm>>) target_semaphore(%arg18 : memref<!tpu.dma_semaphore, #tpu.memory_space<semaphore_mem>>)
      %dma_wait3A_699 = arith.constant 3 : i32
      %dma_wait3A_700 = arith.constant 0 : i32
      %dma_wait3A_701 = arith.constant 0 : i32
      %dma_wait3A_702 = tpu.memref_slice %arg6[%dma_wait3A_699, %dma_wait3A_700, %dma_wait3A_701] : memref<6x16x1024xf32, #tpu.memory_space<vmem>> -> memref<1x16x1024xf32, #tpu.memory_space<vmem>>
      %dma_wait3A_703 = tpu.memref_squeeze %dma_wait3A_702 : memref<1x16x1024xf32, #tpu.memory_space<vmem>> -> memref<16x1024xf32, #tpu.memory_space<vmem>>
      %dma_wait3A_704 = arith.constant 0 : i32
      %dma_wait3A_705 = tpu.memref_slice %arg4[%mul3A_2, %dma_wait3A_704] : memref<32768x1024xf32, #tpu.memory_space<hbm>> -> memref<16x1024xf32, #tpu.memory_space<hbm>>
      %dma_wait3A_706 = arith.constant 0 : i32
      %dma_wait3A_707 = tpu.memref_slice %arg4[%mul3A_2, %dma_wait3A_706] : memref<32768x1024xf32, #tpu.memory_space<hbm>> -> memref<16x1024xf32, #tpu.memory_space<hbm>>
      %dma_wait3A_708 = arith.constant 0 : i32
      %dma_wait3A_709 = arith.constant 0 : i32
      %dma_wait3A_710 = tpu.memref_slice %arg6[%dma_wait3A_699, %dma_wait3A_708, %dma_wait3A_709] : memref<6x16x1024xf32, #tpu.memory_space<vmem>> -> memref<1x16x1024xf32, #tpu.memory_space<vmem>>
      %dma_wait3A_711 = tpu.memref_squeeze %dma_wait3A_710 : memref<1x16x1024xf32, #tpu.memory_space<vmem>> -> memref<16x1024xf32, #tpu.memory_space<vmem>>
      tpu.wait_dma2 semaphore(%arg16 : memref<!tpu.dma_semaphore, #tpu.memory_space<semaphore_mem>>) src(%dma_wait3A_711 : memref<16x1024xf32, #tpu.memory_space<vmem>>) dst(%dma_wait3A_707 : memref<16x1024xf32, #tpu.memory_space<hbm>>)
      %add3A_712 = arith.constant 4 : i32
      %add3A_713 = arith.addi %add3A_671, %add3A_712 : i32
      %mul3A_714 = arith.constant 16 : i32
      %mul3A_715 = arith.muli %add3A_713, %mul3A_714 : i32
      %dma_start3A_716 = arith.constant 3 : i32
      %dma_start3A_717 = arith.constant 0 : i32
      %dma_start3A_718 = arith.constant 0 : i32
      %dma_start3A_719 = tpu.memref_slice %arg6[%dma_start3A_716, %dma_start3A_717, %dma_start3A_718] : memref<6x16x1024xf32, #tpu.memory_space<vmem>> -> memref<1x16x1024xf32, #tpu.memory_space<vmem>>
      %dma_start3A_720 = tpu.memref_squeeze %dma_start3A_719 : memref<1x16x1024xf32, #tpu.memory_space<vmem>> -> memref<16x1024xf32, #tpu.memory_space<vmem>>
      %dma_start3A_721 = tpu.memref_slice %arg5[%mul3A_715] : memref<1024xi32, #tpu.memory_space<vmem>> -> memref<16xi32, #tpu.memory_space<vmem>>
      %dma_start3A_722 = arith.constant 0 : i32
      %dma_start3A_723 = arith.constant 0 : i32
      %dma_start3A_724 = tpu.memref_slice %arg3[%dma_start3A_722, %dma_start3A_723] : memref<8192x1024xf32, #tpu.memory_space<hbm>> -> memref<8192x1024xf32, #tpu.memory_space<hbm>>
      tpu.enqueue_indirect_dma source(%dma_start3A_724 : memref<8192x1024xf32, #tpu.memory_space<hbm>>) target(%dma_start3A_720 : memref<16x1024xf32, #tpu.memory_space<vmem>>) offsets(%dma_start3A_721 : memref<16xi32, #tpu.memory_space<vmem>>) semaphore(%arg10 : memref<!tpu.dma_semaphore, #tpu.memory_space<semaphore_mem>>)
      %mul3A_725 = arith.constant 6 : i32
      %mul3A_726 = arith.muli %scan3A_487, %mul3A_725 : i32
      %add3A_727 = arith.constant 2 : i32
      %add3A_728 = arith.addi %add3A_727, %mul3A_726 : i32
      %add3A_729 = arith.constant 4 : i32
      %add3A_730 = arith.addi %add3A_728, %add3A_729 : i32
      %mul3A_731 = arith.constant 16 : i32
      %mul3A_732 = arith.muli %add3A_730, %mul3A_731 : i32
      %dma_wait3A_733 = arith.constant 0 : i32
      %dma_wait3A_734 = arith.constant 0 : i32
      %dma_wait3A_735 = arith.constant 0 : i32
      %dma_wait3A_736 = tpu.memref_slice %arg6[%dma_wait3A_733, %dma_wait3A_734, %dma_wait3A_735] : memref<6x16x1024xf32, #tpu.memory_space<vmem>> -> memref<1x16x1024xf32, #tpu.memory_space<vmem>>
      %dma_wait3A_737 = tpu.memref_squeeze %dma_wait3A_736 : memref<1x16x1024xf32, #tpu.memory_space<vmem>> -> memref<16x1024xf32, #tpu.memory_space<vmem>>
      %dma_wait3A_738 = tpu.memref_slice %arg5[%mul3A_732] : memref<1024xi32, #tpu.memory_space<vmem>> -> memref<16xi32, #tpu.memory_space<vmem>>
      %dma_wait3A_739 = arith.constant 0 : i32
      %dma_wait3A_740 = arith.constant 0 : i32
      %dma_wait3A_741 = tpu.memref_slice %arg3[%dma_wait3A_739, %dma_wait3A_740] : memref<8192x1024xf32, #tpu.memory_space<hbm>> -> memref<8192x1024xf32, #tpu.memory_space<hbm>>
      tpu.wait_indirect_dma semaphore(%arg7 : memref<!tpu.dma_semaphore, #tpu.memory_space<semaphore_mem>>) src(%dma_wait3A_741 : memref<8192x1024xf32, #tpu.memory_space<hbm>>) dst(%dma_wait3A_737 : memref<16x1024xf32, #tpu.memory_space<vmem>>)
      %mul3A_742 = arith.constant 16 : i32
      %mul3A_743 = arith.muli %add3A_730, %mul3A_742 : i32
      %add3A_744 = arith.addi %mul3A_2, %mul3A_743 : i32
      %dma_start3A_745 = arith.constant 0 : i32
      %dma_start3A_746 = arith.constant 0 : i32
      %dma_start3A_747 = arith.constant 0 : i32
      %dma_start3A_748 = tpu.memref_slice %arg6[%dma_start3A_745, %dma_start3A_746, %dma_start3A_747] : memref<6x16x1024xf32, #tpu.memory_space<vmem>> -> memref<1x16x1024xf32, #tpu.memory_space<vmem>>
      %dma_start3A_749 = tpu.memref_squeeze %dma_start3A_748 : memref<1x16x1024xf32, #tpu.memory_space<vmem>> -> memref<16x1024xf32, #tpu.memory_space<vmem>>
      %dma_start3A_750 = arith.constant 0 : i32
      %dma_start3A_751 = tpu.memref_slice %arg4[%add3A_744, %dma_start3A_750] : memref<32768x1024xf32, #tpu.memory_space<hbm>> -> memref<16x1024xf32, #tpu.memory_space<hbm>>
      %dma_start3A_752 = arith.constant 0 : i32
      %dma_start3A_753 = tpu.memref_slice %arg4[%add3A_744, %dma_start3A_752] : memref<32768x1024xf32, #tpu.memory_space<hbm>> -> memref<16x1024xf32, #tpu.memory_space<hbm>>
      %dma_start3A_754 = arith.constant 0 : i32
      %dma_start3A_755 = arith.constant 0 : i32
      %dma_start3A_756 = tpu.memref_slice %arg6[%dma_start3A_745, %dma_start3A_754, %dma_start3A_755] : memref<6x16x1024xf32, #tpu.memory_space<vmem>> -> memref<1x16x1024xf32, #tpu.memory_space<vmem>>
      %dma_start3A_757 = tpu.memref_squeeze %dma_start3A_756 : memref<1x16x1024xf32, #tpu.memory_space<vmem>> -> memref<16x1024xf32, #tpu.memory_space<vmem>>
      tpu.enqueue_dma source(%dma_start3A_757 : memref<16x1024xf32, #tpu.memory_space<vmem>>) target(%dma_start3A_753 : memref<16x1024xf32, #tpu.memory_space<hbm>>) target_semaphore(%arg13 : memref<!tpu.dma_semaphore, #tpu.memory_space<semaphore_mem>>)
      %dma_wait3A_758 = arith.constant 4 : i32
      %dma_wait3A_759 = arith.constant 0 : i32
      %dma_wait3A_760 = arith.constant 0 : i32
      %dma_wait3A_761 = tpu.memref_slice %arg6[%dma_wait3A_758, %dma_wait3A_759, %dma_wait3A_760] : memref<6x16x1024xf32, #tpu.memory_space<vmem>> -> memref<1x16x1024xf32, #tpu.memory_space<vmem>>
      %dma_wait3A_762 = tpu.memref_squeeze %dma_wait3A_761 : memref<1x16x1024xf32, #tpu.memory_space<vmem>> -> memref<16x1024xf32, #tpu.memory_space<vmem>>
      %dma_wait3A_763 = arith.constant 0 : i32
      %dma_wait3A_764 = tpu.memref_slice %arg4[%mul3A_2, %dma_wait3A_763] : memref<32768x1024xf32, #tpu.memory_space<hbm>> -> memref<16x1024xf32, #tpu.memory_space<hbm>>
      %dma_wait3A_765 = arith.constant 0 : i32
      %dma_wait3A_766 = tpu.memref_slice %arg4[%mul3A_2, %dma_wait3A_765] : memref<32768x1024xf32, #tpu.memory_space<hbm>> -> memref<16x1024xf32, #tpu.memory_space<hbm>>
      %dma_wait3A_767 = arith.constant 0 : i32
      %dma_wait3A_768 = arith.constant 0 : i32
      %dma_wait3A_769 = tpu.memref_slice %arg6[%dma_wait3A_758, %dma_wait3A_767, %dma_wait3A_768] : memref<6x16x1024xf32, #tpu.memory_space<vmem>> -> memref<1x16x1024xf32, #tpu.memory_space<vmem>>
      %dma_wait3A_770 = tpu.memref_squeeze %dma_wait3A_769 : memref<1x16x1024xf32, #tpu.memory_space<vmem>> -> memref<16x1024xf32, #tpu.memory_space<vmem>>
      tpu.wait_dma2 semaphore(%arg17 : memref<!tpu.dma_semaphore, #tpu.memory_space<semaphore_mem>>) src(%dma_wait3A_770 : memref<16x1024xf32, #tpu.memory_space<vmem>>) dst(%dma_wait3A_766 : memref<16x1024xf32, #tpu.memory_space<hbm>>)
      %add3A_771 = arith.constant 4 : i32
      %add3A_772 = arith.addi %add3A_730, %add3A_771 : i32
      %mul3A_773 = arith.constant 16 : i32
      %mul3A_774 = arith.muli %add3A_772, %mul3A_773 : i32
      %dma_start3A_775 = arith.constant 4 : i32
      %dma_start3A_776 = arith.constant 0 : i32
      %dma_start3A_777 = arith.constant 0 : i32
      %dma_start3A_778 = tpu.memref_slice %arg6[%dma_start3A_775, %dma_start3A_776, %dma_start3A_777] : memref<6x16x1024xf32, #tpu.memory_space<vmem>> -> memref<1x16x1024xf32, #tpu.memory_space<vmem>>
      %dma_start3A_779 = tpu.memref_squeeze %dma_start3A_778 : memref<1x16x1024xf32, #tpu.memory_space<vmem>> -> memref<16x1024xf32, #tpu.memory_space<vmem>>
      %dma_start3A_780 = tpu.memref_slice %arg5[%mul3A_774] : memref<1024xi32, #tpu.memory_space<vmem>> -> memref<16xi32, #tpu.memory_space<vmem>>
      %dma_start3A_781 = arith.constant 0 : i32
      %dma_start3A_782 = arith.constant 0 : i32
      %dma_start3A_783 = tpu.memref_slice %arg3[%dma_start3A_781, %dma_start3A_782] : memref<8192x1024xf32, #tpu.memory_space<hbm>> -> memref<8192x1024xf32, #tpu.memory_space<hbm>>
      tpu.enqueue_indirect_dma source(%dma_start3A_783 : memref<8192x1024xf32, #tpu.memory_space<hbm>>) target(%dma_start3A_779 : memref<16x1024xf32, #tpu.memory_space<vmem>>) offsets(%dma_start3A_780 : memref<16xi32, #tpu.memory_space<vmem>>) semaphore(%arg11 : memref<!tpu.dma_semaphore, #tpu.memory_space<semaphore_mem>>)
      %mul3A_784 = arith.constant 6 : i32
      %mul3A_785 = arith.muli %scan3A_487, %mul3A_784 : i32
      %add3A_786 = arith.constant 2 : i32
      %add3A_787 = arith.addi %add3A_786, %mul3A_785 : i32
      %add3A_788 = arith.constant 5 : i32
      %add3A_789 = arith.addi %add3A_787, %add3A_788 : i32
      %mul3A_790 = arith.constant 16 : i32
      %mul3A_791 = arith.muli %add3A_789, %mul3A_790 : i32
      %dma_wait3A_792 = arith.constant 1 : i32
      %dma_wait3A_793 = arith.constant 0 : i32
      %dma_wait3A_794 = arith.constant 0 : i32
      %dma_wait3A_795 = tpu.memref_slice %arg6[%dma_wait3A_792, %dma_wait3A_793, %dma_wait3A_794] : memref<6x16x1024xf32, #tpu.memory_space<vmem>> -> memref<1x16x1024xf32, #tpu.memory_space<vmem>>
      %dma_wait3A_796 = tpu.memref_squeeze %dma_wait3A_795 : memref<1x16x1024xf32, #tpu.memory_space<vmem>> -> memref<16x1024xf32, #tpu.memory_space<vmem>>
      %dma_wait3A_797 = tpu.memref_slice %arg5[%mul3A_791] : memref<1024xi32, #tpu.memory_space<vmem>> -> memref<16xi32, #tpu.memory_space<vmem>>
      %dma_wait3A_798 = arith.constant 0 : i32
      %dma_wait3A_799 = arith.constant 0 : i32
      %dma_wait3A_800 = tpu.memref_slice %arg3[%dma_wait3A_798, %dma_wait3A_799] : memref<8192x1024xf32, #tpu.memory_space<hbm>> -> memref<8192x1024xf32, #tpu.memory_space<hbm>>
      tpu.wait_indirect_dma semaphore(%arg8 : memref<!tpu.dma_semaphore, #tpu.memory_space<semaphore_mem>>) src(%dma_wait3A_800 : memref<8192x1024xf32, #tpu.memory_space<hbm>>) dst(%dma_wait3A_796 : memref<16x1024xf32, #tpu.memory_space<vmem>>)
      %mul3A_801 = arith.constant 16 : i32
      %mul3A_802 = arith.muli %add3A_789, %mul3A_801 : i32
      %add3A_803 = arith.addi %mul3A_2, %mul3A_802 : i32
      %dma_start3A_804 = arith.constant 1 : i32
      %dma_start3A_805 = arith.constant 0 : i32
      %dma_start3A_806 = arith.constant 0 : i32
      %dma_start3A_807 = tpu.memref_slice %arg6[%dma_start3A_804, %dma_start3A_805, %dma_start3A_806] : memref<6x16x1024xf32, #tpu.memory_space<vmem>> -> memref<1x16x1024xf32, #tpu.memory_space<vmem>>
      %dma_start3A_808 = tpu.memref_squeeze %dma_start3A_807 : memref<1x16x1024xf32, #tpu.memory_space<vmem>> -> memref<16x1024xf32, #tpu.memory_space<vmem>>
      %dma_start3A_809 = arith.constant 0 : i32
      %dma_start3A_810 = tpu.memref_slice %arg4[%add3A_803, %dma_start3A_809] : memref<32768x1024xf32, #tpu.memory_space<hbm>> -> memref<16x1024xf32, #tpu.memory_space<hbm>>
      %dma_start3A_811 = arith.constant 0 : i32
      %dma_start3A_812 = tpu.memref_slice %arg4[%add3A_803, %dma_start3A_811] : memref<32768x1024xf32, #tpu.memory_space<hbm>> -> memref<16x1024xf32, #tpu.memory_space<hbm>>
      %dma_start3A_813 = arith.constant 0 : i32
      %dma_start3A_814 = arith.constant 0 : i32
      %dma_start3A_815 = tpu.memref_slice %arg6[%dma_start3A_804, %dma_start3A_813, %dma_start3A_814] : memref<6x16x1024xf32, #tpu.memory_space<vmem>> -> memref<1x16x1024xf32, #tpu.memory_space<vmem>>
      %dma_start3A_816 = tpu.memref_squeeze %dma_start3A_815 : memref<1x16x1024xf32, #tpu.memory_space<vmem>> -> memref<16x1024xf32, #tpu.memory_space<vmem>>
      tpu.enqueue_dma source(%dma_start3A_816 : memref<16x1024xf32, #tpu.memory_space<vmem>>) target(%dma_start3A_812 : memref<16x1024xf32, #tpu.memory_space<hbm>>) target_semaphore(%arg14 : memref<!tpu.dma_semaphore, #tpu.memory_space<semaphore_mem>>)
      %dma_wait3A_817 = arith.constant 5 : i32
      %dma_wait3A_818 = arith.constant 0 : i32
      %dma_wait3A_819 = arith.constant 0 : i32
      %dma_wait3A_820 = tpu.memref_slice %arg6[%dma_wait3A_817, %dma_wait3A_818, %dma_wait3A_819] : memref<6x16x1024xf32, #tpu.memory_space<vmem>> -> memref<1x16x1024xf32, #tpu.memory_space<vmem>>
      %dma_wait3A_821 = tpu.memref_squeeze %dma_wait3A_820 : memref<1x16x1024xf32, #tpu.memory_space<vmem>> -> memref<16x1024xf32, #tpu.memory_space<vmem>>
      %dma_wait3A_822 = arith.constant 0 : i32
      %dma_wait3A_823 = tpu.memref_slice %arg4[%mul3A_2, %dma_wait3A_822] : memref<32768x1024xf32, #tpu.memory_space<hbm>> -> memref<16x1024xf32, #tpu.memory_space<hbm>>
      %dma_wait3A_824 = arith.constant 0 : i32
      %dma_wait3A_825 = tpu.memref_slice %arg4[%mul3A_2, %dma_wait3A_824] : memref<32768x1024xf32, #tpu.memory_space<hbm>> -> memref<16x1024xf32, #tpu.memory_space<hbm>>
      %dma_wait3A_826 = arith.constant 0 : i32
      %dma_wait3A_827 = arith.constant 0 : i32
      %dma_wait3A_828 = tpu.memref_slice %arg6[%dma_wait3A_817, %dma_wait3A_826, %dma_wait3A_827] : memref<6x16x1024xf32, #tpu.memory_space<vmem>> -> memref<1x16x1024xf32, #tpu.memory_space<vmem>>
      %dma_wait3A_829 = tpu.memref_squeeze %dma_wait3A_828 : memref<1x16x1024xf32, #tpu.memory_space<vmem>> -> memref<16x1024xf32, #tpu.memory_space<vmem>>
      tpu.wait_dma2 semaphore(%arg18 : memref<!tpu.dma_semaphore, #tpu.memory_space<semaphore_mem>>) src(%dma_wait3A_829 : memref<16x1024xf32, #tpu.memory_space<vmem>>) dst(%dma_wait3A_825 : memref<16x1024xf32, #tpu.memory_space<hbm>>)
      %add3A_830 = arith.constant 4 : i32
      %add3A_831 = arith.addi %add3A_789, %add3A_830 : i32
      %mul3A_832 = arith.constant 16 : i32
      %mul3A_833 = arith.muli %add3A_831, %mul3A_832 : i32
      %dma_start3A_834 = arith.constant 5 : i32
      %dma_start3A_835 = arith.constant 0 : i32
      %dma_start3A_836 = arith.constant 0 : i32
      %dma_start3A_837 = tpu.memref_slice %arg6[%dma_start3A_834, %dma_start3A_835, %dma_start3A_836] : memref<6x16x1024xf32, #tpu.memory_space<vmem>> -> memref<1x16x1024xf32, #tpu.memory_space<vmem>>
      %dma_start3A_838 = tpu.memref_squeeze %dma_start3A_837 : memref<1x16x1024xf32, #tpu.memory_space<vmem>> -> memref<16x1024xf32, #tpu.memory_space<vmem>>
      %dma_start3A_839 = tpu.memref_slice %arg5[%mul3A_833] : memref<1024xi32, #tpu.memory_space<vmem>> -> memref<16xi32, #tpu.memory_space<vmem>>
      %dma_start3A_840 = arith.constant 0 : i32
      %dma_start3A_841 = arith.constant 0 : i32
      %dma_start3A_842 = tpu.memref_slice %arg3[%dma_start3A_840, %dma_start3A_841] : memref<8192x1024xf32, #tpu.memory_space<hbm>> -> memref<8192x1024xf32, #tpu.memory_space<hbm>>
      tpu.enqueue_indirect_dma source(%dma_start3A_842 : memref<8192x1024xf32, #tpu.memory_space<hbm>>) target(%dma_start3A_838 : memref<16x1024xf32, #tpu.memory_space<vmem>>) offsets(%dma_start3A_839 : memref<16xi32, #tpu.memory_space<vmem>>) semaphore(%arg12 : memref<!tpu.dma_semaphore, #tpu.memory_space<semaphore_mem>>)
      %scan3A_843 = arith.constant 0 : i32
      scf.yield %scan3A_843 : i32
    }
    %scan3A_116 = arith.constant 9 : i32
    %dma_wait3A_117 = arith.constant 2 : i32
    %dma_wait3A_118 = arith.constant 0 : i32
    %dma_wait3A_119 = arith.constant 0 : i32
    %dma_wait3A_120 = tpu.memref_slice %arg6[%dma_wait3A_117, %dma_wait3A_118, %dma_wait3A_119] : memref<6x16x1024xf32, #tpu.memory_space<vmem>> -> memref<1x16x1024xf32, #tpu.memory_space<vmem>>
    %dma_wait3A_121 = tpu.memref_squeeze %dma_wait3A_120 : memref<1x16x1024xf32, #tpu.memory_space<vmem>> -> memref<16x1024xf32, #tpu.memory_space<vmem>>
    %dma_wait3A_122 = arith.constant 896 : i32
    %dma_wait3A_123 = tpu.memref_slice %arg5[%dma_wait3A_122] : memref<1024xi32, #tpu.memory_space<vmem>> -> memref<16xi32, #tpu.memory_space<vmem>>
    %dma_wait3A_124 = arith.constant 0 : i32
    %dma_wait3A_125 = arith.constant 0 : i32
    %dma_wait3A_126 = tpu.memref_slice %arg3[%dma_wait3A_124, %dma_wait3A_125] : memref<8192x1024xf32, #tpu.memory_space<hbm>> -> memref<8192x1024xf32, #tpu.memory_space<hbm>>
    tpu.wait_indirect_dma semaphore(%arg9 : memref<!tpu.dma_semaphore, #tpu.memory_space<semaphore_mem>>) src(%dma_wait3A_126 : memref<8192x1024xf32, #tpu.memory_space<hbm>>) dst(%dma_wait3A_121 : memref<16x1024xf32, #tpu.memory_space<vmem>>)
    %add3A_127 = arith.constant 896 : i32
    %add3A_128 = arith.addi %mul3A_2, %add3A_127 : i32
    %dma_start3A_129 = arith.constant 2 : i32
    %dma_start3A_130 = arith.constant 0 : i32
    %dma_start3A_131 = arith.constant 0 : i32
    %dma_start3A_132 = tpu.memref_slice %arg6[%dma_start3A_129, %dma_start3A_130, %dma_start3A_131] : memref<6x16x1024xf32, #tpu.memory_space<vmem>> -> memref<1x16x1024xf32, #tpu.memory_space<vmem>>
    %dma_start3A_133 = tpu.memref_squeeze %dma_start3A_132 : memref<1x16x1024xf32, #tpu.memory_space<vmem>> -> memref<16x1024xf32, #tpu.memory_space<vmem>>
    %dma_start3A_134 = arith.constant 0 : i32
    %dma_start3A_135 = tpu.memref_slice %arg4[%add3A_128, %dma_start3A_134] : memref<32768x1024xf32, #tpu.memory_space<hbm>> -> memref<16x1024xf32, #tpu.memory_space<hbm>>
    %dma_start3A_136 = arith.constant 0 : i32
    %dma_start3A_137 = tpu.memref_slice %arg4[%add3A_128, %dma_start3A_136] : memref<32768x1024xf32, #tpu.memory_space<hbm>> -> memref<16x1024xf32, #tpu.memory_space<hbm>>
    %dma_start3A_138 = arith.constant 0 : i32
    %dma_start3A_139 = arith.constant 0 : i32
    %dma_start3A_140 = tpu.memref_slice %arg6[%dma_start3A_129, %dma_start3A_138, %dma_start3A_139] : memref<6x16x1024xf32, #tpu.memory_space<vmem>> -> memref<1x16x1024xf32, #tpu.memory_space<vmem>>
    %dma_start3A_141 = tpu.memref_squeeze %dma_start3A_140 : memref<1x16x1024xf32, #tpu.memory_space<vmem>> -> memref<16x1024xf32, #tpu.memory_space<vmem>>
    tpu.enqueue_dma source(%dma_start3A_141 : memref<16x1024xf32, #tpu.memory_space<vmem>>) target(%dma_start3A_137 : memref<16x1024xf32, #tpu.memory_space<hbm>>) target_semaphore(%arg15 : memref<!tpu.dma_semaphore, #tpu.memory_space<semaphore_mem>>)
    %dma_wait3A_142 = arith.constant 0 : i32
    %dma_wait3A_143 = arith.constant 0 : i32
    %dma_wait3A_144 = arith.constant 0 : i32
    %dma_wait3A_145 = tpu.memref_slice %arg6[%dma_wait3A_142, %dma_wait3A_143, %dma_wait3A_144] : memref<6x16x1024xf32, #tpu.memory_space<vmem>> -> memref<1x16x1024xf32, #tpu.memory_space<vmem>>
    %dma_wait3A_146 = tpu.memref_squeeze %dma_wait3A_145 : memref<1x16x1024xf32, #tpu.memory_space<vmem>> -> memref<16x1024xf32, #tpu.memory_space<vmem>>
    %dma_wait3A_147 = arith.constant 0 : i32
    %dma_wait3A_148 = tpu.memref_slice %arg4[%mul3A_2, %dma_wait3A_147] : memref<32768x1024xf32, #tpu.memory_space<hbm>> -> memref<16x1024xf32, #tpu.memory_space<hbm>>
    %dma_wait3A_149 = arith.constant 0 : i32
    %dma_wait3A_150 = tpu.memref_slice %arg4[%mul3A_2, %dma_wait3A_149] : memref<32768x1024xf32, #tpu.memory_space<hbm>> -> memref<16x1024xf32, #tpu.memory_space<hbm>>
    %dma_wait3A_151 = arith.constant 0 : i32
    %dma_wait3A_152 = arith.constant 0 : i32
    %dma_wait3A_153 = tpu.memref_slice %arg6[%dma_wait3A_142, %dma_wait3A_151, %dma_wait3A_152] : memref<6x16x1024xf32, #tpu.memory_space<vmem>> -> memref<1x16x1024xf32, #tpu.memory_space<vmem>>
    %dma_wait3A_154 = tpu.memref_squeeze %dma_wait3A_153 : memref<1x16x1024xf32, #tpu.memory_space<vmem>> -> memref<16x1024xf32, #tpu.memory_space<vmem>>
    tpu.wait_dma2 semaphore(%arg13 : memref<!tpu.dma_semaphore, #tpu.memory_space<semaphore_mem>>) src(%dma_wait3A_154 : memref<16x1024xf32, #tpu.memory_space<vmem>>) dst(%dma_wait3A_150 : memref<16x1024xf32, #tpu.memory_space<hbm>>)
    %dma_start3A_155 = arith.constant 0 : i32
    %dma_start3A_156 = arith.constant 0 : i32
    %dma_start3A_157 = arith.constant 0 : i32
    %dma_start3A_158 = tpu.memref_slice %arg6[%dma_start3A_155, %dma_start3A_156, %dma_start3A_157] : memref<6x16x1024xf32, #tpu.memory_space<vmem>> -> memref<1x16x1024xf32, #tpu.memory_space<vmem>>
    %dma_start3A_159 = tpu.memref_squeeze %dma_start3A_158 : memref<1x16x1024xf32, #tpu.memory_space<vmem>> -> memref<16x1024xf32, #tpu.memory_space<vmem>>
    %dma_start3A_160 = arith.constant 960 : i32
    %dma_start3A_161 = tpu.memref_slice %arg5[%dma_start3A_160] : memref<1024xi32, #tpu.memory_space<vmem>> -> memref<16xi32, #tpu.memory_space<vmem>>
    %dma_start3A_162 = arith.constant 0 : i32
    %dma_start3A_163 = arith.constant 0 : i32
    %dma_start3A_164 = tpu.memref_slice %arg3[%dma_start3A_162, %dma_start3A_163] : memref<8192x1024xf32, #tpu.memory_space<hbm>> -> memref<8192x1024xf32, #tpu.memory_space<hbm>>
    tpu.enqueue_indirect_dma source(%dma_start3A_164 : memref<8192x1024xf32, #tpu.memory_space<hbm>>) target(%dma_start3A_159 : memref<16x1024xf32, #tpu.memory_space<vmem>>) offsets(%dma_start3A_161 : memref<16xi32, #tpu.memory_space<vmem>>) semaphore(%arg7 : memref<!tpu.dma_semaphore, #tpu.memory_space<semaphore_mem>>)
    %dma_wait3A_165 = arith.constant 3 : i32
    %dma_wait3A_166 = arith.constant 0 : i32
    %dma_wait3A_167 = arith.constant 0 : i32
    %dma_wait3A_168 = tpu.memref_slice %arg6[%dma_wait3A_165, %dma_wait3A_166, %dma_wait3A_167] : memref<6x16x1024xf32, #tpu.memory_space<vmem>> -> memref<1x16x1024xf32, #tpu.memory_space<vmem>>
    %dma_wait3A_169 = tpu.memref_squeeze %dma_wait3A_168 : memref<1x16x1024xf32, #tpu.memory_space<vmem>> -> memref<16x1024xf32, #tpu.memory_space<vmem>>
    %dma_wait3A_170 = arith.constant 912 : i32
    %dma_wait3A_171 = tpu.memref_slice %arg5[%dma_wait3A_170] : memref<1024xi32, #tpu.memory_space<vmem>> -> memref<16xi32, #tpu.memory_space<vmem>>
    %dma_wait3A_172 = arith.constant 0 : i32
    %dma_wait3A_173 = arith.constant 0 : i32
    %dma_wait3A_174 = tpu.memref_slice %arg3[%dma_wait3A_172, %dma_wait3A_173] : memref<8192x1024xf32, #tpu.memory_space<hbm>> -> memref<8192x1024xf32, #tpu.memory_space<hbm>>
    tpu.wait_indirect_dma semaphore(%arg10 : memref<!tpu.dma_semaphore, #tpu.memory_space<semaphore_mem>>) src(%dma_wait3A_174 : memref<8192x1024xf32, #tpu.memory_space<hbm>>) dst(%dma_wait3A_169 : memref<16x1024xf32, #tpu.memory_space<vmem>>)
    %add3A_175 = arith.constant 912 : i32
    %add3A_176 = arith.addi %mul3A_2, %add3A_175 : i32
    %dma_start3A_177 = arith.constant 3 : i32
    %dma_start3A_178 = arith.constant 0 : i32
    %dma_start3A_179 = arith.constant 0 : i32
    %dma_start3A_180 = tpu.memref_slice %arg6[%dma_start3A_177, %dma_start3A_178, %dma_start3A_179] : memref<6x16x1024xf32, #tpu.memory_space<vmem>> -> memref<1x16x1024xf32, #tpu.memory_space<vmem>>
    %dma_start3A_181 = tpu.memref_squeeze %dma_start3A_180 : memref<1x16x1024xf32, #tpu.memory_space<vmem>> -> memref<16x1024xf32, #tpu.memory_space<vmem>>
    %dma_start3A_182 = arith.constant 0 : i32
    %dma_start3A_183 = tpu.memref_slice %arg4[%add3A_176, %dma_start3A_182] : memref<32768x1024xf32, #tpu.memory_space<hbm>> -> memref<16x1024xf32, #tpu.memory_space<hbm>>
    %dma_start3A_184 = arith.constant 0 : i32
    %dma_start3A_185 = tpu.memref_slice %arg4[%add3A_176, %dma_start3A_184] : memref<32768x1024xf32, #tpu.memory_space<hbm>> -> memref<16x1024xf32, #tpu.memory_space<hbm>>
    %dma_start3A_186 = arith.constant 0 : i32
    %dma_start3A_187 = arith.constant 0 : i32
    %dma_start3A_188 = tpu.memref_slice %arg6[%dma_start3A_177, %dma_start3A_186, %dma_start3A_187] : memref<6x16x1024xf32, #tpu.memory_space<vmem>> -> memref<1x16x1024xf32, #tpu.memory_space<vmem>>
    %dma_start3A_189 = tpu.memref_squeeze %dma_start3A_188 : memref<1x16x1024xf32, #tpu.memory_space<vmem>> -> memref<16x1024xf32, #tpu.memory_space<vmem>>
    tpu.enqueue_dma source(%dma_start3A_189 : memref<16x1024xf32, #tpu.memory_space<vmem>>) target(%dma_start3A_185 : memref<16x1024xf32, #tpu.memory_space<hbm>>) target_semaphore(%arg16 : memref<!tpu.dma_semaphore, #tpu.memory_space<semaphore_mem>>)
    %dma_wait3A_190 = arith.constant 1 : i32
    %dma_wait3A_191 = arith.constant 0 : i32
    %dma_wait3A_192 = arith.constant 0 : i32
    %dma_wait3A_193 = tpu.memref_slice %arg6[%dma_wait3A_190, %dma_wait3A_191, %dma_wait3A_192] : memref<6x16x1024xf32, #tpu.memory_space<vmem>> -> memref<1x16x1024xf32, #tpu.memory_space<vmem>>
    %dma_wait3A_194 = tpu.memref_squeeze %dma_wait3A_193 : memref<1x16x1024xf32, #tpu.memory_space<vmem>> -> memref<16x1024xf32, #tpu.memory_space<vmem>>
    %dma_wait3A_195 = arith.constant 0 : i32
    %dma_wait3A_196 = tpu.memref_slice %arg4[%mul3A_2, %dma_wait3A_195] : memref<32768x1024xf32, #tpu.memory_space<hbm>> -> memref<16x1024xf32, #tpu.memory_space<hbm>>
    %dma_wait3A_197 = arith.constant 0 : i32
    %dma_wait3A_198 = tpu.memref_slice %arg4[%mul3A_2, %dma_wait3A_197] : memref<32768x1024xf32, #tpu.memory_space<hbm>> -> memref<16x1024xf32, #tpu.memory_space<hbm>>
    %dma_wait3A_199 = arith.constant 0 : i32
    %dma_wait3A_200 = arith.constant 0 : i32
    %dma_wait3A_201 = tpu.memref_slice %arg6[%dma_wait3A_190, %dma_wait3A_199, %dma_wait3A_200] : memref<6x16x1024xf32, #tpu.memory_space<vmem>> -> memref<1x16x1024xf32, #tpu.memory_space<vmem>>
    %dma_wait3A_202 = tpu.memref_squeeze %dma_wait3A_201 : memref<1x16x1024xf32, #tpu.memory_space<vmem>> -> memref<16x1024xf32, #tpu.memory_space<vmem>>
    tpu.wait_dma2 semaphore(%arg14 : memref<!tpu.dma_semaphore, #tpu.memory_space<semaphore_mem>>) src(%dma_wait3A_202 : memref<16x1024xf32, #tpu.memory_space<vmem>>) dst(%dma_wait3A_198 : memref<16x1024xf32, #tpu.memory_space<hbm>>)
    %dma_start3A_203 = arith.constant 1 : i32
    %dma_start3A_204 = arith.constant 0 : i32
    %dma_start3A_205 = arith.constant 0 : i32
    %dma_start3A_206 = tpu.memref_slice %arg6[%dma_start3A_203, %dma_start3A_204, %dma_start3A_205] : memref<6x16x1024xf32, #tpu.memory_space<vmem>> -> memref<1x16x1024xf32, #tpu.memory_space<vmem>>
    %dma_start3A_207 = tpu.memref_squeeze %dma_start3A_206 : memref<1x16x1024xf32, #tpu.memory_space<vmem>> -> memref<16x1024xf32, #tpu.memory_space<vmem>>
    %dma_start3A_208 = arith.constant 976 : i32
    %dma_start3A_209 = tpu.memref_slice %arg5[%dma_start3A_208] : memref<1024xi32, #tpu.memory_space<vmem>> -> memref<16xi32, #tpu.memory_space<vmem>>
    %dma_start3A_210 = arith.constant 0 : i32
    %dma_start3A_211 = arith.constant 0 : i32
    %dma_start3A_212 = tpu.memref_slice %arg3[%dma_start3A_210, %dma_start3A_211] : memref<8192x1024xf32, #tpu.memory_space<hbm>> -> memref<8192x1024xf32, #tpu.memory_space<hbm>>
    tpu.enqueue_indirect_dma source(%dma_start3A_212 : memref<8192x1024xf32, #tpu.memory_space<hbm>>) target(%dma_start3A_207 : memref<16x1024xf32, #tpu.memory_space<vmem>>) offsets(%dma_start3A_209 : memref<16xi32, #tpu.memory_space<vmem>>) semaphore(%arg8 : memref<!tpu.dma_semaphore, #tpu.memory_space<semaphore_mem>>)
    %dma_wait3A_213 = arith.constant 4 : i32
    %dma_wait3A_214 = arith.constant 0 : i32
    %dma_wait3A_215 = arith.constant 0 : i32
    %dma_wait3A_216 = tpu.memref_slice %arg6[%dma_wait3A_213, %dma_wait3A_214, %dma_wait3A_215] : memref<6x16x1024xf32, #tpu.memory_space<vmem>> -> memref<1x16x1024xf32, #tpu.memory_space<vmem>>
    %dma_wait3A_217 = tpu.memref_squeeze %dma_wait3A_216 : memref<1x16x1024xf32, #tpu.memory_space<vmem>> -> memref<16x1024xf32, #tpu.memory_space<vmem>>
    %dma_wait3A_218 = arith.constant 928 : i32
    %dma_wait3A_219 = tpu.memref_slice %arg5[%dma_wait3A_218] : memref<1024xi32, #tpu.memory_space<vmem>> -> memref<16xi32, #tpu.memory_space<vmem>>
    %dma_wait3A_220 = arith.constant 0 : i32
    %dma_wait3A_221 = arith.constant 0 : i32
    %dma_wait3A_222 = tpu.memref_slice %arg3[%dma_wait3A_220, %dma_wait3A_221] : memref<8192x1024xf32, #tpu.memory_space<hbm>> -> memref<8192x1024xf32, #tpu.memory_space<hbm>>
    tpu.wait_indirect_dma semaphore(%arg11 : memref<!tpu.dma_semaphore, #tpu.memory_space<semaphore_mem>>) src(%dma_wait3A_222 : memref<8192x1024xf32, #tpu.memory_space<hbm>>) dst(%dma_wait3A_217 : memref<16x1024xf32, #tpu.memory_space<vmem>>)
    %add3A_223 = arith.constant 928 : i32
    %add3A_224 = arith.addi %mul3A_2, %add3A_223 : i32
    %dma_start3A_225 = arith.constant 4 : i32
    %dma_start3A_226 = arith.constant 0 : i32
    %dma_start3A_227 = arith.constant 0 : i32
    %dma_start3A_228 = tpu.memref_slice %arg6[%dma_start3A_225, %dma_start3A_226, %dma_start3A_227] : memref<6x16x1024xf32, #tpu.memory_space<vmem>> -> memref<1x16x1024xf32, #tpu.memory_space<vmem>>
    %dma_start3A_229 = tpu.memref_squeeze %dma_start3A_228 : memref<1x16x1024xf32, #tpu.memory_space<vmem>> -> memref<16x1024xf32, #tpu.memory_space<vmem>>
    %dma_start3A_230 = arith.constant 0 : i32
    %dma_start3A_231 = tpu.memref_slice %arg4[%add3A_224, %dma_start3A_230] : memref<32768x1024xf32, #tpu.memory_space<hbm>> -> memref<16x1024xf32, #tpu.memory_space<hbm>>
    %dma_start3A_232 = arith.constant 0 : i32
    %dma_start3A_233 = tpu.memref_slice %arg4[%add3A_224, %dma_start3A_232] : memref<32768x1024xf32, #tpu.memory_space<hbm>> -> memref<16x1024xf32, #tpu.memory_space<hbm>>
    %dma_start3A_234 = arith.constant 0 : i32
    %dma_start3A_235 = arith.constant 0 : i32
    %dma_start3A_236 = tpu.memref_slice %arg6[%dma_start3A_225, %dma_start3A_234, %dma_start3A_235] : memref<6x16x1024xf32, #tpu.memory_space<vmem>> -> memref<1x16x1024xf32, #tpu.memory_space<vmem>>
    %dma_start3A_237 = tpu.memref_squeeze %dma_start3A_236 : memref<1x16x1024xf32, #tpu.memory_space<vmem>> -> memref<16x1024xf32, #tpu.memory_space<vmem>>
    tpu.enqueue_dma source(%dma_start3A_237 : memref<16x1024xf32, #tpu.memory_space<vmem>>) target(%dma_start3A_233 : memref<16x1024xf32, #tpu.memory_space<hbm>>) target_semaphore(%arg17 : memref<!tpu.dma_semaphore, #tpu.memory_space<semaphore_mem>>)
    %dma_wait3A_238 = arith.constant 2 : i32
    %dma_wait3A_239 = arith.constant 0 : i32
    %dma_wait3A_240 = arith.constant 0 : i32
    %dma_wait3A_241 = tpu.memref_slice %arg6[%dma_wait3A_238, %dma_wait3A_239, %dma_wait3A_240] : memref<6x16x1024xf32, #tpu.memory_space<vmem>> -> memref<1x16x1024xf32, #tpu.memory_space<vmem>>
    %dma_wait3A_242 = tpu.memref_squeeze %dma_wait3A_241 : memref<1x16x1024xf32, #tpu.memory_space<vmem>> -> memref<16x1024xf32, #tpu.memory_space<vmem>>
    %dma_wait3A_243 = arith.constant 0 : i32
    %dma_wait3A_244 = tpu.memref_slice %arg4[%mul3A_2, %dma_wait3A_243] : memref<32768x1024xf32, #tpu.memory_space<hbm>> -> memref<16x1024xf32, #tpu.memory_space<hbm>>
    %dma_wait3A_245 = arith.constant 0 : i32
    %dma_wait3A_246 = tpu.memref_slice %arg4[%mul3A_2, %dma_wait3A_245] : memref<32768x1024xf32, #tpu.memory_space<hbm>> -> memref<16x1024xf32, #tpu.memory_space<hbm>>
    %dma_wait3A_247 = arith.constant 0 : i32
    %dma_wait3A_248 = arith.constant 0 : i32
    %dma_wait3A_249 = tpu.memref_slice %arg6[%dma_wait3A_238, %dma_wait3A_247, %dma_wait3A_248] : memref<6x16x1024xf32, #tpu.memory_space<vmem>> -> memref<1x16x1024xf32, #tpu.memory_space<vmem>>
    %dma_wait3A_250 = tpu.memref_squeeze %dma_wait3A_249 : memref<1x16x1024xf32, #tpu.memory_space<vmem>> -> memref<16x1024xf32, #tpu.memory_space<vmem>>
    tpu.wait_dma2 semaphore(%arg15 : memref<!tpu.dma_semaphore, #tpu.memory_space<semaphore_mem>>) src(%dma_wait3A_250 : memref<16x1024xf32, #tpu.memory_space<vmem>>) dst(%dma_wait3A_246 : memref<16x1024xf32, #tpu.memory_space<hbm>>)
    %dma_start3A_251 = arith.constant 2 : i32
    %dma_start3A_252 = arith.constant 0 : i32
    %dma_start3A_253 = arith.constant 0 : i32
    %dma_start3A_254 = tpu.memref_slice %arg6[%dma_start3A_251, %dma_start3A_252, %dma_start3A_253] : memref<6x16x1024xf32, #tpu.memory_space<vmem>> -> memref<1x16x1024xf32, #tpu.memory_space<vmem>>
    %dma_start3A_255 = tpu.memref_squeeze %dma_start3A_254 : memref<1x16x1024xf32, #tpu.memory_space<vmem>> -> memref<16x1024xf32, #tpu.memory_space<vmem>>
    %dma_start3A_256 = arith.constant 992 : i32
    %dma_start3A_257 = tpu.memref_slice %arg5[%dma_start3A_256] : memref<1024xi32, #tpu.memory_space<vmem>> -> memref<16xi32, #tpu.memory_space<vmem>>
    %dma_start3A_258 = arith.constant 0 : i32
    %dma_start3A_259 = arith.constant 0 : i32
    %dma_start3A_260 = tpu.memref_slice %arg3[%dma_start3A_258, %dma_start3A_259] : memref<8192x1024xf32, #tpu.memory_space<hbm>> -> memref<8192x1024xf32, #tpu.memory_space<hbm>>
    tpu.enqueue_indirect_dma source(%dma_start3A_260 : memref<8192x1024xf32, #tpu.memory_space<hbm>>) target(%dma_start3A_255 : memref<16x1024xf32, #tpu.memory_space<vmem>>) offsets(%dma_start3A_257 : memref<16xi32, #tpu.memory_space<vmem>>) semaphore(%arg9 : memref<!tpu.dma_semaphore, #tpu.memory_space<semaphore_mem>>)
    %dma_wait3A_261 = arith.constant 5 : i32
    %dma_wait3A_262 = arith.constant 0 : i32
    %dma_wait3A_263 = arith.constant 0 : i32
    %dma_wait3A_264 = tpu.memref_slice %arg6[%dma_wait3A_261, %dma_wait3A_262, %dma_wait3A_263] : memref<6x16x1024xf32, #tpu.memory_space<vmem>> -> memref<1x16x1024xf32, #tpu.memory_space<vmem>>
    %dma_wait3A_265 = tpu.memref_squeeze %dma_wait3A_264 : memref<1x16x1024xf32, #tpu.memory_space<vmem>> -> memref<16x1024xf32, #tpu.memory_space<vmem>>
    %dma_wait3A_266 = arith.constant 944 : i32
    %dma_wait3A_267 = tpu.memref_slice %arg5[%dma_wait3A_266] : memref<1024xi32, #tpu.memory_space<vmem>> -> memref<16xi32, #tpu.memory_space<vmem>>
    %dma_wait3A_268 = arith.constant 0 : i32
    %dma_wait3A_269 = arith.constant 0 : i32
    %dma_wait3A_270 = tpu.memref_slice %arg3[%dma_wait3A_268, %dma_wait3A_269] : memref<8192x1024xf32, #tpu.memory_space<hbm>> -> memref<8192x1024xf32, #tpu.memory_space<hbm>>
    tpu.wait_indirect_dma semaphore(%arg12 : memref<!tpu.dma_semaphore, #tpu.memory_space<semaphore_mem>>) src(%dma_wait3A_270 : memref<8192x1024xf32, #tpu.memory_space<hbm>>) dst(%dma_wait3A_265 : memref<16x1024xf32, #tpu.memory_space<vmem>>)
    %add3A_271 = arith.constant 944 : i32
    %add3A_272 = arith.addi %mul3A_2, %add3A_271 : i32
    %dma_start3A_273 = arith.constant 5 : i32
    %dma_start3A_274 = arith.constant 0 : i32
    %dma_start3A_275 = arith.constant 0 : i32
    %dma_start3A_276 = tpu.memref_slice %arg6[%dma_start3A_273, %dma_start3A_274, %dma_start3A_275] : memref<6x16x1024xf32, #tpu.memory_space<vmem>> -> memref<1x16x1024xf32, #tpu.memory_space<vmem>>
    %dma_start3A_277 = tpu.memref_squeeze %dma_start3A_276 : memref<1x16x1024xf32, #tpu.memory_space<vmem>> -> memref<16x1024xf32, #tpu.memory_space<vmem>>
    %dma_start3A_278 = arith.constant 0 : i32
    %dma_start3A_279 = tpu.memref_slice %arg4[%add3A_272, %dma_start3A_278] : memref<32768x1024xf32, #tpu.memory_space<hbm>> -> memref<16x1024xf32, #tpu.memory_space<hbm>>
    %dma_start3A_280 = arith.constant 0 : i32
    %dma_start3A_281 = tpu.memref_slice %arg4[%add3A_272, %dma_start3A_280] : memref<32768x1024xf32, #tpu.memory_space<hbm>> -> memref<16x1024xf32, #tpu.memory_space<hbm>>
    %dma_start3A_282 = arith.constant 0 : i32
    %dma_start3A_283 = arith.constant 0 : i32
    %dma_start3A_284 = tpu.memref_slice %arg6[%dma_start3A_273, %dma_start3A_282, %dma_start3A_283] : memref<6x16x1024xf32, #tpu.memory_space<vmem>> -> memref<1x16x1024xf32, #tpu.memory_space<vmem>>
    %dma_start3A_285 = tpu.memref_squeeze %dma_start3A_284 : memref<1x16x1024xf32, #tpu.memory_space<vmem>> -> memref<16x1024xf32, #tpu.memory_space<vmem>>
    tpu.enqueue_dma source(%dma_start3A_285 : memref<16x1024xf32, #tpu.memory_space<vmem>>) target(%dma_start3A_281 : memref<16x1024xf32, #tpu.memory_space<hbm>>) target_semaphore(%arg18 : memref<!tpu.dma_semaphore, #tpu.memory_space<semaphore_mem>>)
    %dma_wait3A_286 = arith.constant 3 : i32
    %dma_wait3A_287 = arith.constant 0 : i32
    %dma_wait3A_288 = arith.constant 0 : i32
    %dma_wait3A_289 = tpu.memref_slice %arg6[%dma_wait3A_286, %dma_wait3A_287, %dma_wait3A_288] : memref<6x16x1024xf32, #tpu.memory_space<vmem>> -> memref<1x16x1024xf32, #tpu.memory_space<vmem>>
    %dma_wait3A_290 = tpu.memref_squeeze %dma_wait3A_289 : memref<1x16x1024xf32, #tpu.memory_space<vmem>> -> memref<16x1024xf32, #tpu.memory_space<vmem>>
    %dma_wait3A_291 = arith.constant 0 : i32
    %dma_wait3A_292 = tpu.memref_slice %arg4[%mul3A_2, %dma_wait3A_291] : memref<32768x1024xf32, #tpu.memory_space<hbm>> -> memref<16x1024xf32, #tpu.memory_space<hbm>>
    %dma_wait3A_293 = arith.constant 0 : i32
    %dma_wait3A_294 = tpu.memref_slice %arg4[%mul3A_2, %dma_wait3A_293] : memref<32768x1024xf32, #tpu.memory_space<hbm>> -> memref<16x1024xf32, #tpu.memory_space<hbm>>
    %dma_wait3A_295 = arith.constant 0 : i32
    %dma_wait3A_296 = arith.constant 0 : i32
    %dma_wait3A_297 = tpu.memref_slice %arg6[%dma_wait3A_286, %dma_wait3A_295, %dma_wait3A_296] : memref<6x16x1024xf32, #tpu.memory_space<vmem>> -> memref<1x16x1024xf32, #tpu.memory_space<vmem>>
    %dma_wait3A_298 = tpu.memref_squeeze %dma_wait3A_297 : memref<1x16x1024xf32, #tpu.memory_space<vmem>> -> memref<16x1024xf32, #tpu.memory_space<vmem>>
    tpu.wait_dma2 semaphore(%arg16 : memref<!tpu.dma_semaphore, #tpu.memory_space<semaphore_mem>>) src(%dma_wait3A_298 : memref<16x1024xf32, #tpu.memory_space<vmem>>) dst(%dma_wait3A_294 : memref<16x1024xf32, #tpu.memory_space<hbm>>)
    %dma_start3A_299 = arith.constant 3 : i32
    %dma_start3A_300 = arith.constant 0 : i32
    %dma_start3A_301 = arith.constant 0 : i32
    %dma_start3A_302 = tpu.memref_slice %arg6[%dma_start3A_299, %dma_start3A_300, %dma_start3A_301] : memref<6x16x1024xf32, #tpu.memory_space<vmem>> -> memref<1x16x1024xf32, #tpu.memory_space<vmem>>
    %dma_start3A_303 = tpu.memref_squeeze %dma_start3A_302 : memref<1x16x1024xf32, #tpu.memory_space<vmem>> -> memref<16x1024xf32, #tpu.memory_space<vmem>>
    %dma_start3A_304 = arith.constant 1008 : i32
    %dma_start3A_305 = tpu.memref_slice %arg5[%dma_start3A_304] : memref<1024xi32, #tpu.memory_space<vmem>> -> memref<16xi32, #tpu.memory_space<vmem>>
    %dma_start3A_306 = arith.constant 0 : i32
    %dma_start3A_307 = arith.constant 0 : i32
    %dma_start3A_308 = tpu.memref_slice %arg3[%dma_start3A_306, %dma_start3A_307] : memref<8192x1024xf32, #tpu.memory_space<hbm>> -> memref<8192x1024xf32, #tpu.memory_space<hbm>>
    tpu.enqueue_indirect_dma source(%dma_start3A_308 : memref<8192x1024xf32, #tpu.memory_space<hbm>>) target(%dma_start3A_303 : memref<16x1024xf32, #tpu.memory_space<vmem>>) offsets(%dma_start3A_305 : memref<16xi32, #tpu.memory_space<vmem>>) semaphore(%arg10 : memref<!tpu.dma_semaphore, #tpu.memory_space<semaphore_mem>>)
    %dma_wait3A_309 = arith.constant 0 : i32
    %dma_wait3A_310 = arith.constant 0 : i32
    %dma_wait3A_311 = arith.constant 0 : i32
    %dma_wait3A_312 = tpu.memref_slice %arg6[%dma_wait3A_309, %dma_wait3A_310, %dma_wait3A_311] : memref<6x16x1024xf32, #tpu.memory_space<vmem>> -> memref<1x16x1024xf32, #tpu.memory_space<vmem>>
    %dma_wait3A_313 = tpu.memref_squeeze %dma_wait3A_312 : memref<1x16x1024xf32, #tpu.memory_space<vmem>> -> memref<16x1024xf32, #tpu.memory_space<vmem>>
    %dma_wait3A_314 = arith.constant 960 : i32
    %dma_wait3A_315 = tpu.memref_slice %arg5[%dma_wait3A_314] : memref<1024xi32, #tpu.memory_space<vmem>> -> memref<16xi32, #tpu.memory_space<vmem>>
    %dma_wait3A_316 = arith.constant 0 : i32
    %dma_wait3A_317 = arith.constant 0 : i32
    %dma_wait3A_318 = tpu.memref_slice %arg3[%dma_wait3A_316, %dma_wait3A_317] : memref<8192x1024xf32, #tpu.memory_space<hbm>> -> memref<8192x1024xf32, #tpu.memory_space<hbm>>
    tpu.wait_indirect_dma semaphore(%arg7 : memref<!tpu.dma_semaphore, #tpu.memory_space<semaphore_mem>>) src(%dma_wait3A_318 : memref<8192x1024xf32, #tpu.memory_space<hbm>>) dst(%dma_wait3A_313 : memref<16x1024xf32, #tpu.memory_space<vmem>>)
    %add3A_319 = arith.constant 960 : i32
    %add3A_320 = arith.addi %mul3A_2, %add3A_319 : i32
    %dma_start3A_321 = arith.constant 0 : i32
    %dma_start3A_322 = arith.constant 0 : i32
    %dma_start3A_323 = arith.constant 0 : i32
    %dma_start3A_324 = tpu.memref_slice %arg6[%dma_start3A_321, %dma_start3A_322, %dma_start3A_323] : memref<6x16x1024xf32, #tpu.memory_space<vmem>> -> memref<1x16x1024xf32, #tpu.memory_space<vmem>>
    %dma_start3A_325 = tpu.memref_squeeze %dma_start3A_324 : memref<1x16x1024xf32, #tpu.memory_space<vmem>> -> memref<16x1024xf32, #tpu.memory_space<vmem>>
    %dma_start3A_326 = arith.constant 0 : i32
    %dma_start3A_327 = tpu.memref_slice %arg4[%add3A_320, %dma_start3A_326] : memref<32768x1024xf32, #tpu.memory_space<hbm>> -> memref<16x1024xf32, #tpu.memory_space<hbm>>
    %dma_start3A_328 = arith.constant 0 : i32
    %dma_start3A_329 = tpu.memref_slice %arg4[%add3A_320, %dma_start3A_328] : memref<32768x1024xf32, #tpu.memory_space<hbm>> -> memref<16x1024xf32, #tpu.memory_space<hbm>>
    %dma_start3A_330 = arith.constant 0 : i32
    %dma_start3A_331 = arith.constant 0 : i32
    %dma_start3A_332 = tpu.memref_slice %arg6[%dma_start3A_321, %dma_start3A_330, %dma_start3A_331] : memref<6x16x1024xf32, #tpu.memory_space<vmem>> -> memref<1x16x1024xf32, #tpu.memory_space<vmem>>
    %dma_start3A_333 = tpu.memref_squeeze %dma_start3A_332 : memref<1x16x1024xf32, #tpu.memory_space<vmem>> -> memref<16x1024xf32, #tpu.memory_space<vmem>>
    tpu.enqueue_dma source(%dma_start3A_333 : memref<16x1024xf32, #tpu.memory_space<vmem>>) target(%dma_start3A_329 : memref<16x1024xf32, #tpu.memory_space<hbm>>) target_semaphore(%arg13 : memref<!tpu.dma_semaphore, #tpu.memory_space<semaphore_mem>>)
    %dma_wait3A_334 = arith.constant 4 : i32
    %dma_wait3A_335 = arith.constant 0 : i32
    %dma_wait3A_336 = arith.constant 0 : i32
    %dma_wait3A_337 = tpu.memref_slice %arg6[%dma_wait3A_334, %dma_wait3A_335, %dma_wait3A_336] : memref<6x16x1024xf32, #tpu.memory_space<vmem>> -> memref<1x16x1024xf32, #tpu.memory_space<vmem>>
    %dma_wait3A_338 = tpu.memref_squeeze %dma_wait3A_337 : memref<1x16x1024xf32, #tpu.memory_space<vmem>> -> memref<16x1024xf32, #tpu.memory_space<vmem>>
    %dma_wait3A_339 = arith.constant 0 : i32
    %dma_wait3A_340 = tpu.memref_slice %arg4[%mul3A_2, %dma_wait3A_339] : memref<32768x1024xf32, #tpu.memory_space<hbm>> -> memref<16x1024xf32, #tpu.memory_space<hbm>>
    %dma_wait3A_341 = arith.constant 0 : i32
    %dma_wait3A_342 = tpu.memref_slice %arg4[%mul3A_2, %dma_wait3A_341] : memref<32768x1024xf32, #tpu.memory_space<hbm>> -> memref<16x1024xf32, #tpu.memory_space<hbm>>
    %dma_wait3A_343 = arith.constant 0 : i32
    %dma_wait3A_344 = arith.constant 0 : i32
    %dma_wait3A_345 = tpu.memref_slice %arg6[%dma_wait3A_334, %dma_wait3A_343, %dma_wait3A_344] : memref<6x16x1024xf32, #tpu.memory_space<vmem>> -> memref<1x16x1024xf32, #tpu.memory_space<vmem>>
    %dma_wait3A_346 = tpu.memref_squeeze %dma_wait3A_345 : memref<1x16x1024xf32, #tpu.memory_space<vmem>> -> memref<16x1024xf32, #tpu.memory_space<vmem>>
    tpu.wait_dma2 semaphore(%arg17 : memref<!tpu.dma_semaphore, #tpu.memory_space<semaphore_mem>>) src(%dma_wait3A_346 : memref<16x1024xf32, #tpu.memory_space<vmem>>) dst(%dma_wait3A_342 : memref<16x1024xf32, #tpu.memory_space<hbm>>)
    %dma_wait3A_347 = arith.constant 1 : i32
    %dma_wait3A_348 = arith.constant 0 : i32
    %dma_wait3A_349 = arith.constant 0 : i32
    %dma_wait3A_350 = tpu.memref_slice %arg6[%dma_wait3A_347, %dma_wait3A_348, %dma_wait3A_349] : memref<6x16x1024xf32, #tpu.memory_space<vmem>> -> memref<1x16x1024xf32, #tpu.memory_space<vmem>>
    %dma_wait3A_351 = tpu.memref_squeeze %dma_wait3A_350 : memref<1x16x1024xf32, #tpu.memory_space<vmem>> -> memref<16x1024xf32, #tpu.memory_space<vmem>>
    %dma_wait3A_352 = arith.constant 976 : i32
    %dma_wait3A_353 = tpu.memref_slice %arg5[%dma_wait3A_352] : memref<1024xi32, #tpu.memory_space<vmem>> -> memref<16xi32, #tpu.memory_space<vmem>>
    %dma_wait3A_354 = arith.constant 0 : i32
    %dma_wait3A_355 = arith.constant 0 : i32
    %dma_wait3A_356 = tpu.memref_slice %arg3[%dma_wait3A_354, %dma_wait3A_355] : memref<8192x1024xf32, #tpu.memory_space<hbm>> -> memref<8192x1024xf32, #tpu.memory_space<hbm>>
    tpu.wait_indirect_dma semaphore(%arg8 : memref<!tpu.dma_semaphore, #tpu.memory_space<semaphore_mem>>) src(%dma_wait3A_356 : memref<8192x1024xf32, #tpu.memory_space<hbm>>) dst(%dma_wait3A_351 : memref<16x1024xf32, #tpu.memory_space<vmem>>)
    %add3A_357 = arith.constant 976 : i32
    %add3A_358 = arith.addi %mul3A_2, %add3A_357 : i32
    %dma_start3A_359 = arith.constant 1 : i32
    %dma_start3A_360 = arith.constant 0 : i32
    %dma_start3A_361 = arith.constant 0 : i32
    %dma_start3A_362 = tpu.memref_slice %arg6[%dma_start3A_359, %dma_start3A_360, %dma_start3A_361] : memref<6x16x1024xf32, #tpu.memory_space<vmem>> -> memref<1x16x1024xf32, #tpu.memory_space<vmem>>
    %dma_start3A_363 = tpu.memref_squeeze %dma_start3A_362 : memref<1x16x1024xf32, #tpu.memory_space<vmem>> -> memref<16x1024xf32, #tpu.memory_space<vmem>>
    %dma_start3A_364 = arith.constant 0 : i32
    %dma_start3A_365 = tpu.memref_slice %arg4[%add3A_358, %dma_start3A_364] : memref<32768x1024xf32, #tpu.memory_space<hbm>> -> memref<16x1024xf32, #tpu.memory_space<hbm>>
    %dma_start3A_366 = arith.constant 0 : i32
    %dma_start3A_367 = tpu.memref_slice %arg4[%add3A_358, %dma_start3A_366] : memref<32768x1024xf32, #tpu.memory_space<hbm>> -> memref<16x1024xf32, #tpu.memory_space<hbm>>
    %dma_start3A_368 = arith.constant 0 : i32
    %dma_start3A_369 = arith.constant 0 : i32
    %dma_start3A_370 = tpu.memref_slice %arg6[%dma_start3A_359, %dma_start3A_368, %dma_start3A_369] : memref<6x16x1024xf32, #tpu.memory_space<vmem>> -> memref<1x16x1024xf32, #tpu.memory_space<vmem>>
    %dma_start3A_371 = tpu.memref_squeeze %dma_start3A_370 : memref<1x16x1024xf32, #tpu.memory_space<vmem>> -> memref<16x1024xf32, #tpu.memory_space<vmem>>
    tpu.enqueue_dma source(%dma_start3A_371 : memref<16x1024xf32, #tpu.memory_space<vmem>>) target(%dma_start3A_367 : memref<16x1024xf32, #tpu.memory_space<hbm>>) target_semaphore(%arg14 : memref<!tpu.dma_semaphore, #tpu.memory_space<semaphore_mem>>)
    %dma_wait3A_372 = arith.constant 5 : i32
    %dma_wait3A_373 = arith.constant 0 : i32
    %dma_wait3A_374 = arith.constant 0 : i32
    %dma_wait3A_375 = tpu.memref_slice %arg6[%dma_wait3A_372, %dma_wait3A_373, %dma_wait3A_374] : memref<6x16x1024xf32, #tpu.memory_space<vmem>> -> memref<1x16x1024xf32, #tpu.memory_space<vmem>>
    %dma_wait3A_376 = tpu.memref_squeeze %dma_wait3A_375 : memref<1x16x1024xf32, #tpu.memory_space<vmem>> -> memref<16x1024xf32, #tpu.memory_space<vmem>>
    %dma_wait3A_377 = arith.constant 0 : i32
    %dma_wait3A_378 = tpu.memref_slice %arg4[%mul3A_2, %dma_wait3A_377] : memref<32768x1024xf32, #tpu.memory_space<hbm>> -> memref<16x1024xf32, #tpu.memory_space<hbm>>
    %dma_wait3A_379 = arith.constant 0 : i32
    %dma_wait3A_380 = tpu.memref_slice %arg4[%mul3A_2, %dma_wait3A_379] : memref<32768x1024xf32, #tpu.memory_space<hbm>> -> memref<16x1024xf32, #tpu.memory_space<hbm>>
    %dma_wait3A_381 = arith.constant 0 : i32
    %dma_wait3A_382 = arith.constant 0 : i32
    %dma_wait3A_383 = tpu.memref_slice %arg6[%dma_wait3A_372, %dma_wait3A_381, %dma_wait3A_382] : memref<6x16x1024xf32, #tpu.memory_space<vmem>> -> memref<1x16x1024xf32, #tpu.memory_space<vmem>>
    %dma_wait3A_384 = tpu.memref_squeeze %dma_wait3A_383 : memref<1x16x1024xf32, #tpu.memory_space<vmem>> -> memref<16x1024xf32, #tpu.memory_space<vmem>>
    tpu.wait_dma2 semaphore(%arg18 : memref<!tpu.dma_semaphore, #tpu.memory_space<semaphore_mem>>) src(%dma_wait3A_384 : memref<16x1024xf32, #tpu.memory_space<vmem>>) dst(%dma_wait3A_380 : memref<16x1024xf32, #tpu.memory_space<hbm>>)
    %dma_wait3A_385 = arith.constant 2 : i32
    %dma_wait3A_386 = arith.constant 0 : i32
    %dma_wait3A_387 = arith.constant 0 : i32
    %dma_wait3A_388 = tpu.memref_slice %arg6[%dma_wait3A_385, %dma_wait3A_386, %dma_wait3A_387] : memref<6x16x1024xf32, #tpu.memory_space<vmem>> -> memref<1x16x1024xf32, #tpu.memory_space<vmem>>
    %dma_wait3A_389 = tpu.memref_squeeze %dma_wait3A_388 : memref<1x16x1024xf32, #tpu.memory_space<vmem>> -> memref<16x1024xf32, #tpu.memory_space<vmem>>
    %dma_wait3A_390 = arith.constant 992 : i32
    %dma_wait3A_391 = tpu.memref_slice %arg5[%dma_wait3A_390] : memref<1024xi32, #tpu.memory_space<vmem>> -> memref<16xi32, #tpu.memory_space<vmem>>
    %dma_wait3A_392 = arith.constant 0 : i32
    %dma_wait3A_393 = arith.constant 0 : i32
    %dma_wait3A_394 = tpu.memref_slice %arg3[%dma_wait3A_392, %dma_wait3A_393] : memref<8192x1024xf32, #tpu.memory_space<hbm>> -> memref<8192x1024xf32, #tpu.memory_space<hbm>>
    tpu.wait_indirect_dma semaphore(%arg9 : memref<!tpu.dma_semaphore, #tpu.memory_space<semaphore_mem>>) src(%dma_wait3A_394 : memref<8192x1024xf32, #tpu.memory_space<hbm>>) dst(%dma_wait3A_389 : memref<16x1024xf32, #tpu.memory_space<vmem>>)
    %add3A_395 = arith.constant 992 : i32
    %add3A_396 = arith.addi %mul3A_2, %add3A_395 : i32
    %dma_start3A_397 = arith.constant 2 : i32
    %dma_start3A_398 = arith.constant 0 : i32
    %dma_start3A_399 = arith.constant 0 : i32
    %dma_start3A_400 = tpu.memref_slice %arg6[%dma_start3A_397, %dma_start3A_398, %dma_start3A_399] : memref<6x16x1024xf32, #tpu.memory_space<vmem>> -> memref<1x16x1024xf32, #tpu.memory_space<vmem>>
    %dma_start3A_401 = tpu.memref_squeeze %dma_start3A_400 : memref<1x16x1024xf32, #tpu.memory_space<vmem>> -> memref<16x1024xf32, #tpu.memory_space<vmem>>
    %dma_start3A_402 = arith.constant 0 : i32
    %dma_start3A_403 = tpu.memref_slice %arg4[%add3A_396, %dma_start3A_402] : memref<32768x1024xf32, #tpu.memory_space<hbm>> -> memref<16x1024xf32, #tpu.memory_space<hbm>>
    %dma_start3A_404 = arith.constant 0 : i32
    %dma_start3A_405 = tpu.memref_slice %arg4[%add3A_396, %dma_start3A_404] : memref<32768x1024xf32, #tpu.memory_space<hbm>> -> memref<16x1024xf32, #tpu.memory_space<hbm>>
    %dma_start3A_406 = arith.constant 0 : i32
    %dma_start3A_407 = arith.constant 0 : i32
    %dma_start3A_408 = tpu.memref_slice %arg6[%dma_start3A_397, %dma_start3A_406, %dma_start3A_407] : memref<6x16x1024xf32, #tpu.memory_space<vmem>> -> memref<1x16x1024xf32, #tpu.memory_space<vmem>>
    %dma_start3A_409 = tpu.memref_squeeze %dma_start3A_408 : memref<1x16x1024xf32, #tpu.memory_space<vmem>> -> memref<16x1024xf32, #tpu.memory_space<vmem>>
    tpu.enqueue_dma source(%dma_start3A_409 : memref<16x1024xf32, #tpu.memory_space<vmem>>) target(%dma_start3A_405 : memref<16x1024xf32, #tpu.memory_space<hbm>>) target_semaphore(%arg15 : memref<!tpu.dma_semaphore, #tpu.memory_space<semaphore_mem>>)
    %dma_wait3A_410 = arith.constant 0 : i32
    %dma_wait3A_411 = arith.constant 0 : i32
    %dma_wait3A_412 = arith.constant 0 : i32
    %dma_wait3A_413 = tpu.memref_slice %arg6[%dma_wait3A_410, %dma_wait3A_411, %dma_wait3A_412] : memref<6x16x1024xf32, #tpu.memory_space<vmem>> -> memref<1x16x1024xf32, #tpu.memory_space<vmem>>
    %dma_wait3A_414 = tpu.memref_squeeze %dma_wait3A_413 : memref<1x16x1024xf32, #tpu.memory_space<vmem>> -> memref<16x1024xf32, #tpu.memory_space<vmem>>
    %dma_wait3A_415 = arith.constant 0 : i32
    %dma_wait3A_416 = tpu.memref_slice %arg4[%mul3A_2, %dma_wait3A_415] : memref<32768x1024xf32, #tpu.memory_space<hbm>> -> memref<16x1024xf32, #tpu.memory_space<hbm>>
    %dma_wait3A_417 = arith.constant 0 : i32
    %dma_wait3A_418 = tpu.memref_slice %arg4[%mul3A_2, %dma_wait3A_417] : memref<32768x1024xf32, #tpu.memory_space<hbm>> -> memref<16x1024xf32, #tpu.memory_space<hbm>>
    %dma_wait3A_419 = arith.constant 0 : i32
    %dma_wait3A_420 = arith.constant 0 : i32
    %dma_wait3A_421 = tpu.memref_slice %arg6[%dma_wait3A_410, %dma_wait3A_419, %dma_wait3A_420] : memref<6x16x1024xf32, #tpu.memory_space<vmem>> -> memref<1x16x1024xf32, #tpu.memory_space<vmem>>
    %dma_wait3A_422 = tpu.memref_squeeze %dma_wait3A_421 : memref<1x16x1024xf32, #tpu.memory_space<vmem>> -> memref<16x1024xf32, #tpu.memory_space<vmem>>
    tpu.wait_dma2 semaphore(%arg13 : memref<!tpu.dma_semaphore, #tpu.memory_space<semaphore_mem>>) src(%dma_wait3A_422 : memref<16x1024xf32, #tpu.memory_space<vmem>>) dst(%dma_wait3A_418 : memref<16x1024xf32, #tpu.memory_space<hbm>>)
    %dma_wait3A_423 = arith.constant 3 : i32
    %dma_wait3A_424 = arith.constant 0 : i32
    %dma_wait3A_425 = arith.constant 0 : i32
    %dma_wait3A_426 = tpu.memref_slice %arg6[%dma_wait3A_423, %dma_wait3A_424, %dma_wait3A_425] : memref<6x16x1024xf32, #tpu.memory_space<vmem>> -> memref<1x16x1024xf32, #tpu.memory_space<vmem>>
    %dma_wait3A_427 = tpu.memref_squeeze %dma_wait3A_426 : memref<1x16x1024xf32, #tpu.memory_space<vmem>> -> memref<16x1024xf32, #tpu.memory_space<vmem>>
    %dma_wait3A_428 = arith.constant 1008 : i32
    %dma_wait3A_429 = tpu.memref_slice %arg5[%dma_wait3A_428] : memref<1024xi32, #tpu.memory_space<vmem>> -> memref<16xi32, #tpu.memory_space<vmem>>
    %dma_wait3A_430 = arith.constant 0 : i32
    %dma_wait3A_431 = arith.constant 0 : i32
    %dma_wait3A_432 = tpu.memref_slice %arg3[%dma_wait3A_430, %dma_wait3A_431] : memref<8192x1024xf32, #tpu.memory_space<hbm>> -> memref<8192x1024xf32, #tpu.memory_space<hbm>>
    tpu.wait_indirect_dma semaphore(%arg10 : memref<!tpu.dma_semaphore, #tpu.memory_space<semaphore_mem>>) src(%dma_wait3A_432 : memref<8192x1024xf32, #tpu.memory_space<hbm>>) dst(%dma_wait3A_427 : memref<16x1024xf32, #tpu.memory_space<vmem>>)
    %add3A_433 = arith.constant 1008 : i32
    %add3A_434 = arith.addi %mul3A_2, %add3A_433 : i32
    %dma_start3A_435 = arith.constant 3 : i32
    %dma_start3A_436 = arith.constant 0 : i32
    %dma_start3A_437 = arith.constant 0 : i32
    %dma_start3A_438 = tpu.memref_slice %arg6[%dma_start3A_435, %dma_start3A_436, %dma_start3A_437] : memref<6x16x1024xf32, #tpu.memory_space<vmem>> -> memref<1x16x1024xf32, #tpu.memory_space<vmem>>
    %dma_start3A_439 = tpu.memref_squeeze %dma_start3A_438 : memref<1x16x1024xf32, #tpu.memory_space<vmem>> -> memref<16x1024xf32, #tpu.memory_space<vmem>>
    %dma_start3A_440 = arith.constant 0 : i32
    %dma_start3A_441 = tpu.memref_slice %arg4[%add3A_434, %dma_start3A_440] : memref<32768x1024xf32, #tpu.memory_space<hbm>> -> memref<16x1024xf32, #tpu.memory_space<hbm>>
    %dma_start3A_442 = arith.constant 0 : i32
    %dma_start3A_443 = tpu.memref_slice %arg4[%add3A_434, %dma_start3A_442] : memref<32768x1024xf32, #tpu.memory_space<hbm>> -> memref<16x1024xf32, #tpu.memory_space<hbm>>
    %dma_start3A_444 = arith.constant 0 : i32
    %dma_start3A_445 = arith.constant 0 : i32
    %dma_start3A_446 = tpu.memref_slice %arg6[%dma_start3A_435, %dma_start3A_444, %dma_start3A_445] : memref<6x16x1024xf32, #tpu.memory_space<vmem>> -> memref<1x16x1024xf32, #tpu.memory_space<vmem>>
    %dma_start3A_447 = tpu.memref_squeeze %dma_start3A_446 : memref<1x16x1024xf32, #tpu.memory_space<vmem>> -> memref<16x1024xf32, #tpu.memory_space<vmem>>
    tpu.enqueue_dma source(%dma_start3A_447 : memref<16x1024xf32, #tpu.memory_space<vmem>>) target(%dma_start3A_443 : memref<16x1024xf32, #tpu.memory_space<hbm>>) target_semaphore(%arg16 : memref<!tpu.dma_semaphore, #tpu.memory_space<semaphore_mem>>)
    %dma_wait3A_448 = arith.constant 1 : i32
    %dma_wait3A_449 = arith.constant 0 : i32
    %dma_wait3A_450 = arith.constant 0 : i32
    %dma_wait3A_451 = tpu.memref_slice %arg6[%dma_wait3A_448, %dma_wait3A_449, %dma_wait3A_450] : memref<6x16x1024xf32, #tpu.memory_space<vmem>> -> memref<1x16x1024xf32, #tpu.memory_space<vmem>>
    %dma_wait3A_452 = tpu.memref_squeeze %dma_wait3A_451 : memref<1x16x1024xf32, #tpu.memory_space<vmem>> -> memref<16x1024xf32, #tpu.memory_space<vmem>>
    %dma_wait3A_453 = arith.constant 0 : i32
    %dma_wait3A_454 = tpu.memref_slice %arg4[%mul3A_2, %dma_wait3A_453] : memref<32768x1024xf32, #tpu.memory_space<hbm>> -> memref<16x1024xf32, #tpu.memory_space<hbm>>
    %dma_wait3A_455 = arith.constant 0 : i32
    %dma_wait3A_456 = tpu.memref_slice %arg4[%mul3A_2, %dma_wait3A_455] : memref<32768x1024xf32, #tpu.memory_space<hbm>> -> memref<16x1024xf32, #tpu.memory_space<hbm>>
    %dma_wait3A_457 = arith.constant 0 : i32
    %dma_wait3A_458 = arith.constant 0 : i32
    %dma_wait3A_459 = tpu.memref_slice %arg6[%dma_wait3A_448, %dma_wait3A_457, %dma_wait3A_458] : memref<6x16x1024xf32, #tpu.memory_space<vmem>> -> memref<1x16x1024xf32, #tpu.memory_space<vmem>>
    %dma_wait3A_460 = tpu.memref_squeeze %dma_wait3A_459 : memref<1x16x1024xf32, #tpu.memory_space<vmem>> -> memref<16x1024xf32, #tpu.memory_space<vmem>>
    tpu.wait_dma2 semaphore(%arg14 : memref<!tpu.dma_semaphore, #tpu.memory_space<semaphore_mem>>) src(%dma_wait3A_460 : memref<16x1024xf32, #tpu.memory_space<vmem>>) dst(%dma_wait3A_456 : memref<16x1024xf32, #tpu.memory_space<hbm>>)
    %dma_wait3A_461 = arith.constant 2 : i32
    %dma_wait3A_462 = arith.constant 0 : i32
    %dma_wait3A_463 = arith.constant 0 : i32
    %dma_wait3A_464 = tpu.memref_slice %arg6[%dma_wait3A_461, %dma_wait3A_462, %dma_wait3A_463] : memref<6x16x1024xf32, #tpu.memory_space<vmem>> -> memref<1x16x1024xf32, #tpu.memory_space<vmem>>
    %dma_wait3A_465 = tpu.memref_squeeze %dma_wait3A_464 : memref<1x16x1024xf32, #tpu.memory_space<vmem>> -> memref<16x1024xf32, #tpu.memory_space<vmem>>
    %dma_wait3A_466 = arith.constant 0 : i32
    %dma_wait3A_467 = tpu.memref_slice %arg4[%mul3A_2, %dma_wait3A_466] : memref<32768x1024xf32, #tpu.memory_space<hbm>> -> memref<16x1024xf32, #tpu.memory_space<hbm>>
    %dma_wait3A_468 = arith.constant 0 : i32
    %dma_wait3A_469 = tpu.memref_slice %arg4[%mul3A_2, %dma_wait3A_468] : memref<32768x1024xf32, #tpu.memory_space<hbm>> -> memref<16x1024xf32, #tpu.memory_space<hbm>>
    %dma_wait3A_470 = arith.constant 0 : i32
    %dma_wait3A_471 = arith.constant 0 : i32
    %dma_wait3A_472 = tpu.memref_slice %arg6[%dma_wait3A_461, %dma_wait3A_470, %dma_wait3A_471] : memref<6x16x1024xf32, #tpu.memory_space<vmem>> -> memref<1x16x1024xf32, #tpu.memory_space<vmem>>
    %dma_wait3A_473 = tpu.memref_squeeze %dma_wait3A_472 : memref<1x16x1024xf32, #tpu.memory_space<vmem>> -> memref<16x1024xf32, #tpu.memory_space<vmem>>
    tpu.wait_dma2 semaphore(%arg15 : memref<!tpu.dma_semaphore, #tpu.memory_space<semaphore_mem>>) src(%dma_wait3A_473 : memref<16x1024xf32, #tpu.memory_space<vmem>>) dst(%dma_wait3A_469 : memref<16x1024xf32, #tpu.memory_space<hbm>>)
    %dma_wait3A_474 = arith.constant 3 : i32
    %dma_wait3A_475 = arith.constant 0 : i32
    %dma_wait3A_476 = arith.constant 0 : i32
    %dma_wait3A_477 = tpu.memref_slice %arg6[%dma_wait3A_474, %dma_wait3A_475, %dma_wait3A_476] : memref<6x16x1024xf32, #tpu.memory_space<vmem>> -> memref<1x16x1024xf32, #tpu.memory_space<vmem>>
    %dma_wait3A_478 = tpu.memref_squeeze %dma_wait3A_477 : memref<1x16x1024xf32, #tpu.memory_space<vmem>> -> memref<16x1024xf32, #tpu.memory_space<vmem>>
    %dma_wait3A_479 = arith.constant 0 : i32
    %dma_wait3A_480 = tpu.memref_slice %arg4[%mul3A_2, %dma_wait3A_479] : memref<32768x1024xf32, #tpu.memory_space<hbm>> -> memref<16x1024xf32, #tpu.memory_space<hbm>>
    %dma_wait3A_481 = arith.constant 0 : i32
    %dma_wait3A_482 = tpu.memref_slice %arg4[%mul3A_2, %dma_wait3A_481] : memref<32768x1024xf32, #tpu.memory_space<hbm>> -> memref<16x1024xf32, #tpu.memory_space<hbm>>
    %dma_wait3A_483 = arith.constant 0 : i32
    %dma_wait3A_484 = arith.constant 0 : i32
    %dma_wait3A_485 = tpu.memref_slice %arg6[%dma_wait3A_474, %dma_wait3A_483, %dma_wait3A_484] : memref<6x16x1024xf32, #tpu.memory_space<vmem>> -> memref<1x16x1024xf32, #tpu.memory_space<vmem>>
    %dma_wait3A_486 = tpu.memref_squeeze %dma_wait3A_485 : memref<1x16x1024xf32, #tpu.memory_space<vmem>> -> memref<16x1024xf32, #tpu.memory_space<vmem>>
    tpu.wait_dma2 semaphore(%arg16 : memref<!tpu.dma_semaphore, #tpu.memory_space<semaphore_mem>>) src(%dma_wait3A_486 : memref<16x1024xf32, #tpu.memory_space<vmem>>) dst(%dma_wait3A_482 : memref<16x1024xf32, #tpu.memory_space<hbm>>)
    return
  }
}

</mosaic_0001>

<sc_bundles>
// kernel: kernel.3.cloned.1.call-start
scs
__scs_entry_jumppad:
0x0: {  	(pc) =	sbr.rel $0x88, $3  }
0x1: {  	(tag) =	ssettag $0x0;
	lr =	simm.s32 $0x1  }
0x2: {  	[smem:$0x3F9F] =	sst lr;
	_ =	strace $0xD0000000  }
0x3: {  	_ = 	snop  }
0x4: {  	_ = 	snop  }
0x5: {  	_ = 	snop  }
0x6: {  	_ = 	snop  }
0x7: {  	_ = 	snop  }
__scs_overlays_trampoline_lowered:
0x8: {  	[smem:$0x3FAE] =	sst s0  }
0x9: {  	[smem:$0x3FAF] =	sst s1  }
0xa: {  	[smem:$0x3FB0] =	sst s2  }
0xb: {  	[smem:$0x3FB1] =	sst s3  }
0xc: {  	[smem:$0x3FB2] =	sst s4  }
0xd: {  	[smem:$0x3FB3] =	sst s5  }
0xe: {  	[smem:$0x3FB4] =	sst s6  }
0xf: {  	[smem:$0x3FB5] =	sst s7  }
0x10: {  	[smem:$0x3FB6] =	sst s8  }
0x11: {  	[smem:$0x3FB7] =	sst s9;
	s0 =	simm.s32 @!p0 $0x0  }
0x12: {  	s1 =	sld [smem:$0x3F9D];
	s0 =	simm.s32 @p0 $0x1  }
0x13: {  	[smem:$0x3FB8] =	sst s0;
	s0 =	simm.s32 @!p1 $0x0  }
0x14: {  	s2 =	sld [smem:$0x3F9C];
	s0 =	simm.s32 @p1 $0x1  }
0x15: {  	[smem:$0x3FB9] =	sst s0;
	s0 =	simm.s32 @!p2 $0x0  }
0x16: {  	s3 =	sld [smem:$0x3FDB];
	s0 =	simm.s32 @p2 $0x1  }
0x17: {  	s4 =	simm.s32 $0x1BF5;
	[smem:$0x3FBB] =	sst s0  }
0x18: {  	s0 =	sld [smem:$0x3F9E];
	_ =	swait.ge [sflag:s4], $0x0  }
0x19: {  	s7 =	sld [smem:$0x3F9F]  }
0x1a: {  	s8 =	sadd.s32 $0xFFFFE003, lr  }
0x1b: {  	s9 =	sadd.s32 $0xFFFFFEF7, lr;
	s5 =	simm.s32 $0xFFFFFFFF;
	p2 =	slt.u32 s8, $0xFFFFF086  }
0x1c: {  	p1 =	slt.u32 s9, $0xF7A;
	s5 =	simm.s32 @!p2 $0x0  }
0x1d: {  	s5 =	simm.s32 @p1 $0x1;
	p0 =	seq.s32 s7, s2  }
0x1e: {  	s7 =	smul.u32 @!p0 $0xF7A, s2;
	p2 =	seq.s32 @!p0 s5, $0x0  }
0x1f: {  	s9 =	smul.u32 $0xF7A, s1;
	s8 =	simm.s32 @!p0 $0x1BF5;
	p2 =	por !p2, p0  }
0x20: {  	[sflag:s8] =	ssyncset.s32 @!p0 $0xFFFFF086;
	s6 =	sadd.s32 @!p0 s3, s7;
	s7 =	simm.s32 @!p0 $0x108  }
0x21: {  	s3 =	sadd.s32 s3, s9;
	s6 =	sadd.s32 @!p0 $0x88, s6;
	s7 =	simm.s32 @p2 $0x1082  }
0x22: {  	[simem:s7], [sflag:s8] =	dma.local @!p0 [hbm:s6], $0xF7A  }
0x23: {  	s9 =	sor.u32 $0xD0000000, s2;
	s6 =	simm.s32 $0x108;
	_ =	swait.ge @!p0 [sflag:s8], $0x0  }
0x24: {  	s3 =	sadd.s32 $0x88, s3;
	s6 =	simm.s32 @!p1 $0x1082;
	[sflag:s4] =	ssyncset.s32 $0xFFFFF086  }
0x25: {  	[simem:s6], [sflag:s4] =	dma.local [hbm:s3], $0xF7A  }
0x26: {  	[smem:$0x3F9F] =	sst s1;
	(tag) =	ssettag s2;
	_ =	strace s9  }
0x27: {  	s1 =	sld [smem:$0x3FAF]  }
0x28: {  	s2 =	sld [smem:$0x3FB0]  }
0x29: {  	s4 =	sld [smem:$0x3FB2]  }
0x2a: {  	p0 =	seq.s32 s5, $0x0;
	s5 =	sld [smem:$0x3FB3]  }
0x2b: {  	s6 =	sld [smem:$0x3FB4]  }
0x2c: {  	s7 =	sld [smem:$0x3FB5]  }
0x2d: {  	s3 =	simm.s32 $0x108;
	s8 =	sld [smem:$0x3FB6]  }
0x2e: {  	s3 =	simm.s32 @!p0 $0x1082;
	s9 =	sld [smem:$0x3FB7]  }
0x2f: {  	lr =	sadd.s32 s0, s3;
	s0 =	sld [smem:$0x3FAE]  }
0x30: {  	s3 =	sld [smem:$0x3FB1]  }
0x31: {  	[smem:$0x3FBA] =	sst s10  }
0x32: {  	s10 =	sld [smem:$0x3FB8];
	_ =	sdelay $0x3  }
0x33: {  	p0 =	seq.s32 s10, $0x1;
	s10 =	sld [smem:$0x3FBA];
	_ =	sdelay $0x3  }
0x34: {  	[smem:$0x3FBA] =	sst s10  }
0x35: {  	s10 =	sld [smem:$0x3FB9];
	_ =	sdelay $0x3  }
0x36: {  	p1 =	seq.s32 s10, $0x1;
	s10 =	sld [smem:$0x3FBA];
	_ =	sdelay $0x3  }
0x37: {  	[smem:$0x3FBA] =	sst s10  }
0x38: {  	s10 =	sld [smem:$0x3FBB]  }
0x39: {  	_ = 	snop;
	(pc) =	sbr.ind lr, $3  }
0x3a: {  	_ = 	snop  }
0x3b: {  	_ = 	snop  }
0x3c: {  	p2 =	seq.s32 s10, $0x1;
	s10 =	sld [smem:$0x3FBA]  }
0x3d: {  	_ =	shalt  }
0x3e: {  	_ =	shalt  }
0x3f: {  	_ =	shalt  }
0x40: {  	_ =	shalt  }
0x41: {  	_ =	shalt  }
0x42: {  	_ =	shalt  }
0x43: {  	_ =	shalt  }
0x44: {  	_ =	shalt  }
0x45: {  	_ =	shalt  }
0x46: {  	_ =	shalt  }
0x47: {  	_ =	shalt  }
0x48: {  	_ =	shalt  }
0x49: {  	_ =	shalt  }
0x4a: {  	_ =	shalt  }
0x4b: {  	_ =	shalt  }
0x4c: {  	_ =	shalt  }
0x4d: {  	_ =	shalt  }
0x4e: {  	_ =	shalt  }
0x4f: {  	_ =	shalt  }
0x50: {  	_ =	shalt  }
0x51: {  	_ =	shalt  }
0x52: {  	_ =	shalt  }
0x53: {  	_ =	shalt  }
0x54: {  	_ =	shalt  }
0x55: {  	_ =	shalt  }
0x56: {  	_ =	shalt  }
0x57: {  	_ =	shalt  }
0x58: {  	_ =	shalt  }
0x59: {  	_ =	shalt  }
0x5a: {  	_ =	shalt  }
0x5b: {  	_ =	shalt  }
0x5c: {  	_ =	shalt  }
0x5d: {  	_ =	shalt  }
0x5e: {  	_ =	shalt  }
0x5f: {  	_ =	shalt  }
0x60: {  	_ =	shalt  }
0x61: {  	_ =	shalt  }
0x62: {  	_ =	shalt  }
0x63: {  	_ =	shalt  }
0x64: {  	_ =	shalt  }
0x65: {  	_ =	shalt  }
0x66: {  	_ =	shalt  }
0x67: {  	_ =	shalt  }
0x68: {  	_ =	shalt  }
0x69: {  	_ =	shalt  }
0x6a: {  	_ =	shalt  }
0x6b: {  	_ =	shalt  }
0x6c: {  	_ =	shalt  }
0x6d: {  	_ =	shalt  }
0x6e: {  	_ =	shalt  }
0x6f: {  	_ =	shalt  }
0x70: {  	_ =	shalt  }
0x71: {  	_ =	shalt  }
0x72: {  	_ =	shalt  }
0x73: {  	_ =	shalt  }
0x74: {  	_ =	shalt  }
0x75: {  	_ =	shalt  }
0x76: {  	_ =	shalt  }
0x77: {  	_ =	shalt  }
0x78: {  	_ =	shalt  }
0x79: {  	_ =	shalt  }
0x7a: {  	_ =	shalt  }
0x7b: {  	_ =	shalt  }
0x7c: {  	_ =	shalt  }
0x7d: {  	_ =	shalt  }
0x7e: {  	_ =	shalt  }
0x7f: {  	_ =	shalt  }
0x80: {  	_ =	shalt  }
0x81: {  	_ =	shalt  }
0x82: {  	_ =	shalt  }
0x83: {  	_ =	shalt  }
0x84: {  	_ =	shalt  }
0x85: {  	_ =	shalt  }
0x86: {  	_ =	shalt  }
0x87: {  	_ =	shalt  }
.Lfunc_end0:
.L_simem_size_0:
called_computation_lowered:
.L_overlay_start_0:
0x88: {  	s2 =	sld [smem:$0x3FD9]  }
0x89: {  	s3 =	sld [smem:$0x3FFE];
	_ =	sdelay $0x1  }
0x8a: {  	s1 =	srdreg.scid  }
0x8b: {  	s0 =	sand.u32 $0x1, s1  }
0x8c: {  	s17 =	sshll.u32 s0, $0xA;
	s2 =	sadd.s32 s3, s2  }
0x8d: {  	s2 =	sadd.s32 s2, s17  }
0x8e: {  	[smem:$0x3FC6] =	sst s2  }
0x8f: {  	_ = 	snop  }
0x90: {  	s2 =	sld [smem:$0x3FC8]  }
0x91: {  	s18 =	sld [smem:$0x3FD0];
	(tm) =	ssettm $0x1  }
0x92: {  	s4 =	sld [smem:$0x3FFB];
	_ =	sdelay $0x3  }
0x93: {  	_ =	strace s4  }
0x94: {  	s4 =	sld [smem:$0x3FFC];
	_ =	sdelay $0x3  }
0x95: {  	_ =	strace s4  }
0x96: {  	s4 =	sld [smem:$0x3FFD];
	_ =	sdelay $0x3  }
0x97: {  	_ =	strace s4  }
0x98: {  	_ =	strace $0x8FFFFFFF  }
0x99: {  	s19 =	sld [smem:$0x3FDB];
	_ =	sdelay $0x1  }
0x9a: {  	s5 =	simm.s32 $_scs_section_size  }
0x9b: {  	s6 =	simm.s32 $_size__tile_overlayer_lowered;
	s7 =	simm.s32 $_tile_overlayer_lowered  }
0x9c: {  	s22 =	simm.s32 $0x1BFF;
	s21 =	sshll.u32 s7, $0x1;
	s4 =	sadd.s32 s5, s19  }
0x9d: {  	s8 =	simm.s32 $0x0;
	s20 =	sshll.u32 s6, $0x1;
	s6 =	sadd.s32 s21, s4  }
0x9e: {  	[timem:s8], [sflag:s22] =	dma.local [hbm:s6], s20  }
0x9f: {  	_ =	swait.ge [sflag:s22], s20  }
0xa0: {  	s5 =	ssub.s32 $0x0, s20;
	[sflag:s22] =	ssyncset.done $0x0  }
0xa1: {  	[sflag:s22] =	ssyncadd.s32 s5;
	_ =	sdelay $0x1  }
0xa2: {  	s23 =	simm.s32 $0x1B8B  }
0xa3: {  	_ =	swait.ge [sflag:s23], $0x1  }
0xa4: {  	[sflag:s23] =	ssyncset.done $0x0  }
0xa5: {  	s25 =	simm.s32 $0x1B8E;
	s24 =	sld [smem:$0x3FFE];
	[sflag:s23] =	ssyncadd.s32 $0xFFFFFFFF  }
0xa6: {  	s26 =	simm.s32 $execute0_lowered;
	[smem:$0x3FD2] =	sst s25  }
0xa7: {  	s6 =	sshll.u32 s26, $0x1;
	_ =	strace $0x80000046;
	[dreg:$0x1] =	wrdreg $0xFFFFFFFF  }
0xa8: {  	s28 =	simm.s32 $_size_execute0_lowered;
	s4 =	sadd.s32 s4, s6;
	[dreg:$0x0] =	wrdreg $0x0  }
0xa9: {  	s6 =	sshll.u32 s28, $0x1;
	[dreg:$0x2] =	wrdreg s4  }
0xaa: {  	[dreg:$0x3] =	wrdreg s6  }
0xab: {  	[dreg:$0x4] =	wrdreg $0xC0  }
0xac: {  	_ =	task [dreg:s8], $0x5FFFF  }
0xad: {  	[dreg:$0x1] =	wrdreg $0xFFFFFFFF  }
0xae: {  	[dreg:$0x0] =	wrdreg $0x60  }
0xaf: {  	[dreg:$0x2] =	wrdreg s24  }
0xb0: {  	[dreg:$0x3] =	wrdreg s2  }
0xb1: {  	[dreg:$0x4] =	wrdreg s18  }
0xb2: {  	[dreg:$0x5] =	wrdreg $0x9  }
0xb3: {  	_ =	task.clear_ibuf [dreg:s8], $0x6FFFF;
	_ =	strace $0x90000046  }
0xb4: {  	s29 =	simm.s32 $0x9;
	_ =	strace $0x80000048  }
0xb5: {  	_ =	swait.ge [sflag:s29], $0x1  }
0xb6: {  	[sflag:s29] =	ssyncadd.s32 $0xFFFFFFFF  }
0xb7: {  	_ =	strace $0x90000048  }
0xb8: {  	_ =	sfence  }
0xb9: {  	s30 =	sld [smem:$0x0];
	_ =	sdelay $0x2  }
0xba: {  	s31 =	sshll.u32 s1, $0xD;
	s1 =	sshrl.u32 s1, $0x2  }
0xbb: {  	s3 =	sand.u32 $0x4000, s31;
	s1 =	sadd.s32 s1, s30  }
0xbc: {  	s0 =	sor.u32 s3, s0;
	s1 =	sshll.u32 s1, $0x11  }
0xbd: {  	s0 =	sor.u32 s1, s0  }
0xbe: {  	s0 =	sadd.s32 $0x8F2B, s0  }
0xbf: {  	[sflag:s0] =	ssyncadd.remote.s32 $0x1  }
0xc0: {  	_ =	sfence.sel $0xFFFF  }
0xc1: {  	[dreg:$0x0] =	wrdreg $0xFFFFFFFF;
	(pc) =	sbr.abs _section_cstart, $3  }
0xc2: {  	[dreg:$0x1] =	wrdreg $0xFFFFFFFF  }
0xc3: {  	_ =	task.clear_ibuf [dreg:s8], $0x2FFFF;
	_ =	strace $0x9FFFFFFF  }
0xc4: {  	(tm) =	ssettm $0x7FFFFFFF  }
0xc5: {  	_ =	shalt  }
tec
execute0_lowered:
.L_overlay_start_1:
0x0: {  	(tag) =	ssettag $0x1  }
0x1: {  	s0 =	rddreg [dreg:$0x0]  }
0x2: {  	s1 =	srdreg.scid;
	s2 =	rddreg [dreg:$0x1]  }
0x3: {  	s9 =	stileid.u32;
	s4 =	rddreg [dreg:$0x2]  }
0x4: {  	s3 =	simm.s32 $0x0;
	s28 =	simm.s32 $0x1;
	s29 =	simm.s32 $0x10400  }
0x5: {  	s14 =	simm.s32 $0x13400;
	s30 =	simm.s32 $0x13C00;
	s13 =	simm.s32 $0x2  }
0x6: {  	s12 =	simm.s32 $0x9;
	s31 =	simm.s32 $0xC;
	s1 =	sand.u32 $0x1, s1  }
0x7: {  	s11 =	simm.s32 $0x0;
	s5 =	sshll.u32 s9, $0xB;
	s6 =	sshll.u32 s1, $0xA  }
0x8: {  	[smem:$0x7FF] =	sst s3;
	s7 =	ssub.s32 $0x2, s1;
	s5 =	sor.u32 s6, s5  }
0x9: {  	_ =	strace $0x80000047;
	s15 =	sshrl.u32 s7, $0x1;
	s16 =	sshll.u32 s5, $0x7  }
0xa: {  	s6 =	sshrl.u32 s5, $0x3;
	s7 =	ssub.s32 s7, s15;
	s10 =	sadd.s32 s4, s16  }
0xb: {  	s0 =	sadd.s32 s6, s0;
	s26 =	smax.u32 s7, $0x1;
	[dreg:$0x6] =	wrdreg s10  }
0xc: {  	s8 =	sadd.s32 $0x300, s2;
	s0 =	sadd.s32 $0x400, s0;
	[dreg:$0x10] =	wrdreg s26  }
0xd: {  	s23 =	sshll.u32 s9, $0x12;
	s17 =	sadd.s32 $0x1C000, s10;
	[dreg:$0x5] =	wrdreg s0  }
0xe: {  	s9 =	simm.s32 $0x7;
	s18 =	sadd.s32 $0x1C800, s10;
	[dreg:$0x8] =	wrdreg s17  }
0xf: {  	s1 =	sshll.u32 s1, $0x11;
	s19 =	sadd.s32 $0x1D000, s10;
	[dreg:$0x9] =	wrdreg s18  }
0x10: {  	s5 =	sadd.s32 $0x100, s2;
	s20 =	sadd.s32 $0x1D800, s10;
	[dreg:$0xa] =	wrdreg s19  }
0x11: {  	s15 =	simm.s32 $0x10C00;
	s21 =	sadd.s32 $0x1E000, s10;
	[dreg:$0xb] =	wrdreg s20  }
0x12: {  	s6 =	sadd.s32 $0x200, s2;
	s22 =	sadd.s32 $0x1E800, s10;
	[dreg:$0xc] =	wrdreg s21  }
0x13: {  	s7 =	simm.s32 $0xC400;
	s24 =	sadd.s32 $0x1F000, s10;
	[dreg:$0xd] =	wrdreg s22  }
0x14: {  	s16 =	simm.s32 $0x11C00;
	s25 =	sadd.s32 $0x1F800, s10;
	[dreg:$0xe] =	wrdreg s24  }
0x15: {  	s26 =	simm.s32 $0x14400;
	s0 =	sadd.s32 $0x800, s10;
	[dreg:$0xf] =	wrdreg s25  }
0x16: {  	s25 =	simm.s32 $0x8400;
	s17 =	simm.s32 $0x12C00;
	s18 =	simm.s32 $0x3  }
0x17: {  	s10 =	simm.s32 $0x4;
	s19 =	simm.s32 $0x8;
	s21 =	simm.s32 $0x5  }
0x18: {  	v2 =	vlaneseq.u32;
	s22 =	simm.s32 $0x6;
	[dreg:$0x7] =	wrdreg s0;
	s0 =	sadd.s32 s23, s4  }
0x19: {  	vm0 =	vmmov $0xffff;
	v1 =	vshrl.u32 v2, $0x3;
	s24 =	simm.s32 $0xB;
	s4 =	simm.s32 $0x12400;
	s0 =	sadd.s32 s1, s0  }
0x1a: {  	v0 =	vand.u32 $0x7, v2;
	v2 =	vor.u32 $0x8, v2;
	v1 =	vmul.u32 $0x8, v1;
	s23 =	simm.s32 $0xA;
	[dreg:$0x4] =	wrdreg s0;
	s0 =	simm.s32 $0x11400  }
.LBB2_1:
0x1b: {  	[dreg:$0x11] =	wrdreg s11  }
0x1c: {  	s1 =	rddreg [dreg:$0x5];
	s20 =	simm.s32 $0xD  }
0x1d: {  	[tilespmem:s3], [sflag:$0xD] =	stream.linear.gather [hbm4b:s1+s3], $0x400, $0x38;
	[tilespmem:$0x18400] =	vst v63  }
0x1e: {  	_ =	swait.ge [sflag:s20], $0x400  }
0x1f: {  	[sflag:s20] =	ssyncset.done $0x0  }
0x20: {  	[sflag:s20] =	ssyncadd.s32 $0xFFFFFC00  }
0x21: {  	v3 =	vld [tilespmem:$0x0];
	_ =	sdelay $0x4  }
0x22: {  	v4 =	vshll.u32 v3, $0x3  }
0x23: {  	v3 =	vand.u32 $0x7, v3;
	v4 =	vand.u32 $0xFFFFFFC0, v4  }
0x24: {  	v3 =	vor.u32 v3, v4  }
0x25: {  	v4 =	vperm.xlane v3, v0;
	_ =	sdelay $0x1  }
0x26: {  	v4 =	vadd.s32 v1, v4;
	_ =	sdelay $0x3  }
0x27: {  	s20 =	simm.s32 $0x400  }
0x28: {  	[tilespmem:s20], [sflag:$0x1] =	stream.indirect_vreg.gather [hbm4b:s2+s3], $0x80, v4, vm0, $0xb8;
	[tilespmem:$0x18400] =	vst v63  }
0x29: {  	s11 =	simm.s32 $0xC00;
	v3 =	vperm.xlane v3, v2  }
0x2a: {  	[tilespmem:s11], [sflag:$0x1] =	stream.indirect_vreg.gather [hbm4b:s5+s3], $0x80, v4, vm0, $0xb8;
	[tilespmem:$0x18400] =	vst v63  }
0x2b: {  	v3 =	vadd.s32 v1, v3;
	s11 =	simm.s32 $0x1400  }
0x2c: {  	[tilespmem:s11], [sflag:$0x1] =	stream.indirect_vreg.gather [hbm4b:s6+s3], $0x80, v4, vm0, $0xb8;
	[tilespmem:$0x18400] =	vst v63  }
0x2d: {  	s11 =	simm.s32 $0x1C00  }
0x2e: {  	[tilespmem:s11], [sflag:$0x1] =	stream.indirect_vreg.gather [hbm4b:s8+s3], $0x80, v4, vm0, $0xb8;
	[tilespmem:$0x18400] =	vst v63  }
0x2f: {  	s11 =	simm.s32 $0x2400  }
0x30: {  	[tilespmem:s11], [sflag:$0x1] =	stream.indirect_vreg.gather [hbm4b:s2+s3], $0x80, v3, vm0, $0xb8;
	[tilespmem:$0x18400] =	vst v63  }
0x31: {  	s11 =	simm.s32 $0x2C00  }
0x32: {  	[tilespmem:s11], [sflag:$0x1] =	stream.indirect_vreg.gather [hbm4b:s5+s3], $0x80, v3, vm0, $0xb8;
	[tilespmem:$0x18400] =	vst v63  }
0x33: {  	s11 =	simm.s32 $0x3400  }
0x34: {  	[tilespmem:s11], [sflag:$0x1] =	stream.indirect_vreg.gather [hbm4b:s6+s3], $0x80, v3, vm0, $0xb8;
	[tilespmem:$0x18400] =	vst v63  }
0x35: {  	s11 =	simm.s32 $0x3C00  }
0x36: {  	[tilespmem:s11], [sflag:$0x1] =	stream.indirect_vreg.gather [hbm4b:s8+s3], $0x80, v3, vm0, $0xb8;
	[tilespmem:$0x18400] =	vst v63  }
0x37: {  	v3 =	vld [tilespmem:$0x10];
	_ =	sdelay $0x4  }
0x38: {  	v59 =	vshll.u32 v3, $0x3  }
0x39: {  	v3 =	vand.u32 $0x7, v3;
	v4 =	vand.u32 $0xFFFFFFC0, v59  }
0x3a: {  	v3 =	vor.u32 v3, v4  }
0x3b: {  	v4 =	vperm.xlane v3, v0;
	_ =	sdelay $0x1  }
0x3c: {  	v4 =	vadd.s32 v1, v4;
	_ =	sdelay $0x3  }
0x3d: {  	s11 =	simm.s32 $0x4400  }
0x3e: {  	[tilespmem:s11], [sflag:$0x2] =	stream.indirect_vreg.gather [hbm4b:s2+s3], $0x80, v4, vm0, $0xb8;
	[tilespmem:$0x18400] =	vst v63  }
0x3f: {  	s1 =	simm.s32 $0x4C00;
	v3 =	vperm.xlane v3, v2  }
0x40: {  	[tilespmem:s1], [sflag:$0x2] =	stream.indirect_vreg.gather [hbm4b:s5+s3], $0x80, v4, vm0, $0xb8;
	[tilespmem:$0x18400] =	vst v63  }
0x41: {  	v3 =	vadd.s32 v1, v3;
	s1 =	simm.s32 $0x5400  }
0x42: {  	[tilespmem:s1], [sflag:$0x2] =	stream.indirect_vreg.gather [hbm4b:s6+s3], $0x80, v4, vm0, $0xb8;
	[tilespmem:$0x18400] =	vst v63  }
0x43: {  	s1 =	simm.s32 $0x5C00  }
0x44: {  	[tilespmem:s1], [sflag:$0x2] =	stream.indirect_vreg.gather [hbm4b:s8+s3], $0x80, v4, vm0, $0xb8;
	[tilespmem:$0x18400] =	vst v63  }
0x45: {  	s1 =	simm.s32 $0x6400  }
0x46: {  	[tilespmem:s1], [sflag:$0x2] =	stream.indirect_vreg.gather [hbm4b:s2+s3], $0x80, v3, vm0, $0xb8;
	[tilespmem:$0x18400] =	vst v63  }
0x47: {  	s1 =	simm.s32 $0x6C00  }
0x48: {  	[tilespmem:s1], [sflag:$0x2] =	stream.indirect_vreg.gather [hbm4b:s5+s3], $0x80, v3, vm0, $0xb8;
	[tilespmem:$0x18400] =	vst v63  }
0x49: {  	s1 =	simm.s32 $0x7400  }
0x4a: {  	[tilespmem:s1], [sflag:$0x2] =	stream.indirect_vreg.gather [hbm4b:s6+s3], $0x80, v3, vm0, $0xb8;
	[tilespmem:$0x18400] =	vst v63  }
0x4b: {  	s1 =	simm.s32 $0x7C00  }
0x4c: {  	[tilespmem:s1], [sflag:$0x2] =	stream.indirect_vreg.gather [hbm4b:s8+s3], $0x80, v3, vm0, $0xb8;
	[tilespmem:$0x18400] =	vst v63  }
0x4d: {  	v3 =	vld [tilespmem:$0x20];
	_ =	sdelay $0x4  }
0x4e: {  	v60 =	vshll.u32 v3, $0x3  }
0x4f: {  	v3 =	vand.u32 $0x7, v3;
	v4 =	vand.u32 $0xFFFFFFC0, v60  }
0x50: {  	v3 =	vor.u32 v3, v4  }
0x51: {  	v4 =	vperm.xlane v3, v0;
	_ =	sdelay $0x1  }
0x52: {  	v4 =	vadd.s32 v1, v4;
	_ =	sdelay $0x4  }
0x53: {  	[tilespmem:s25], [sflag:$0x3] =	stream.indirect_vreg.gather [hbm4b:s2+s3], $0x80, v4, vm0, $0xb8;
	[tilespmem:$0x18400] =	vst v63  }
0x54: {  	v3 =	vperm.xlane v3, v2;
	s25 =	simm.s32 $0x8C00  }
0x55: {  	[tilespmem:s25], [sflag:$0x3] =	stream.indirect_vreg.gather [hbm4b:s5+s3], $0x80, v4, vm0, $0xb8;
	[tilespmem:$0x18400] =	vst v63  }
0x56: {  	v3 =	vadd.s32 v1, v3;
	s25 =	simm.s32 $0x9400  }
0x57: {  	[tilespmem:s25], [sflag:$0x3] =	stream.indirect_vreg.gather [hbm4b:s6+s3], $0x80, v4, vm0, $0xb8;
	[tilespmem:$0x18400] =	vst v63  }
0x58: {  	s25 =	simm.s32 $0x9C00  }
0x59: {  	[tilespmem:s25], [sflag:$0x3] =	stream.indirect_vreg.gather [hbm4b:s8+s3], $0x80, v4, vm0, $0xb8;
	[tilespmem:$0x18400] =	vst v63  }
0x5a: {  	s25 =	simm.s32 $0xA400  }
0x5b: {  	[tilespmem:s25], [sflag:$0x3] =	stream.indirect_vreg.gather [hbm4b:s2+s3], $0x80, v3, vm0, $0xb8;
	[tilespmem:$0x18400] =	vst v63  }
0x5c: {  	s25 =	simm.s32 $0xAC00  }
0x5d: {  	[tilespmem:s25], [sflag:$0x3] =	stream.indirect_vreg.gather [hbm4b:s5+s3], $0x80, v3, vm0, $0xb8;
	[tilespmem:$0x18400] =	vst v63  }
0x5e: {  	s25 =	simm.s32 $0xB400  }
0x5f: {  	[tilespmem:s25], [sflag:$0x3] =	stream.indirect_vreg.gather [hbm4b:s6+s3], $0x80, v3, vm0, $0xb8;
	[tilespmem:$0x18400] =	vst v63  }
0x60: {  	s25 =	simm.s32 $0xBC00  }
0x61: {  	[tilespmem:s25], [sflag:$0x3] =	stream.indirect_vreg.gather [hbm4b:s8+s3], $0x80, v3, vm0, $0xb8;
	[tilespmem:$0x18400] =	vst v63  }
0x62: {  	v3 =	vld [tilespmem:$0x30];
	_ =	sdelay $0x4  }
0x63: {  	v61 =	vshll.u32 v3, $0x3  }
0x64: {  	v3 =	vand.u32 $0x7, v3;
	v4 =	vand.u32 $0xFFFFFFC0, v61  }
0x65: {  	v3 =	vor.u32 v3, v4  }
0x66: {  	v4 =	vperm.xlane v3, v0;
	_ =	sdelay $0x1  }
0x67: {  	v4 =	vadd.s32 v1, v4;
	_ =	sdelay $0x4  }
0x68: {  	[tilespmem:s7], [sflag:$0x4] =	stream.indirect_vreg.gather [hbm4b:s2+s3], $0x80, v4, vm0, $0xb8;
	[tilespmem:$0x18400] =	vst v63  }
0x69: {  	s25 =	simm.s32 $0xCC00;
	v3 =	vperm.xlane v3, v2  }
0x6a: {  	[tilespmem:s25], [sflag:$0x4] =	stream.indirect_vreg.gather [hbm4b:s5+s3], $0x80, v4, vm0, $0xb8;
	[tilespmem:$0x18400] =	vst v63  }
0x6b: {  	v3 =	vadd.s32 v1, v3;
	s7 =	simm.s32 $0xD400  }
0x6c: {  	[tilespmem:s7], [sflag:$0x4] =	stream.indirect_vreg.gather [hbm4b:s6+s3], $0x80, v4, vm0, $0xb8;
	[tilespmem:$0x18400] =	vst v63  }
0x6d: {  	s25 =	simm.s32 $0xDC00  }
0x6e: {  	[tilespmem:s25], [sflag:$0x4] =	stream.indirect_vreg.gather [hbm4b:s8+s3], $0x80, v4, vm0, $0xb8;
	[tilespmem:$0x18400] =	vst v63  }
0x6f: {  	s7 =	simm.s32 $0xE400  }
0x70: {  	[tilespmem:s7], [sflag:$0x4] =	stream.indirect_vreg.gather [hbm4b:s2+s3], $0x80, v3, vm0, $0xb8;
	[tilespmem:$0x18400] =	vst v63  }
0x71: {  	s25 =	simm.s32 $0xEC00  }
0x72: {  	[tilespmem:s25], [sflag:$0x4] =	stream.indirect_vreg.gather [hbm4b:s5+s3], $0x80, v3, vm0, $0xb8;
	[tilespmem:$0x18400] =	vst v63  }
0x73: {  	s7 =	simm.s32 $0xF400  }
0x74: {  	[tilespmem:s7], [sflag:$0x4] =	stream.indirect_vreg.gather [hbm4b:s6+s3], $0x80, v3, vm0, $0xb8;
	[tilespmem:$0x18400] =	vst v63  }
0x75: {  	s25 =	simm.s32 $0xFC00  }
0x76: {  	[tilespmem:s25], [sflag:$0x4] =	stream.indirect_vreg.gather [hbm4b:s8+s3], $0x80, v3, vm0, $0xb8;
	[tilespmem:$0x18400] =	vst v63  }
0x77: {  	_ =	swait.ge [sflag:s28], $0x4000  }
0x78: {  	[sflag:s28] =	ssyncset.done $0x0  }
0x79: {  	s7 =	rddreg [dreg:$0x6];
	[sflag:s28] =	ssyncadd.s32 $0xFFFFC000  }
0x7a: {  	[hbm4b:s7+s3] =	stream.linear.scatter [tilespmem:s20], [sflag:$0x7], $0x4000, $0x38;
	[tilespmem:$0x18400] =	vst v63  }
0x7b: {  	v3 =	vld [tilespmem:$0x40];
	_ =	sdelay $0x4  }
0x7c: {  	v62 =	vshll.u32 v3, $0x3  }
0x7d: {  	v3 =	vand.u32 $0x7, v3;
	v4 =	vand.u32 $0xFFFFFFC0, v62  }
0x7e: {  	v3 =	vor.u32 v3, v4  }
0x7f: {  	v4 =	vperm.xlane v3, v0;
	_ =	sdelay $0x1  }
0x80: {  	v4 =	vadd.s32 v1, v4;
	_ =	sdelay $0x4  }
0x81: {  	[tilespmem:s29], [sflag:$0x5] =	stream.indirect_vreg.gather [hbm4b:s2+s3], $0x80, v4, vm0, $0xb8;
	[tilespmem:$0x18400] =	vst v63  }
0x82: {  	v3 =	vperm.xlane v3, v2  }
0x83: {  	[tilespmem:s15], [sflag:$0x5] =	stream.indirect_vreg.gather [hbm4b:s5+s3], $0x80, v4, vm0, $0xb8;
	[tilespmem:$0x18400] =	vst v63  }
0x84: {  	v3 =	vadd.s32 v1, v3  }
0x85: {  	[tilespmem:s0], [sflag:$0x5] =	stream.indirect_vreg.gather [hbm4b:s6+s3], $0x80, v4, vm0, $0xb8;
	[tilespmem:$0x18400] =	vst v63  }
0x86: {  	_ = 	snop  }
0x87: {  	[tilespmem:s16], [sflag:$0x5] =	stream.indirect_vreg.gather [hbm4b:s8+s3], $0x80, v4, vm0, $0xb8;
	[tilespmem:$0x18400] =	vst v63  }
0x88: {  	_ = 	snop  }
0x89: {  	[tilespmem:s4], [sflag:$0x5] =	stream.indirect_vreg.gather [hbm4b:s2+s3], $0x80, v3, vm0, $0xb8;
	[tilespmem:$0x18400] =	vst v63  }
0x8a: {  	_ = 	snop  }
0x8b: {  	[tilespmem:s17], [sflag:$0x5] =	stream.indirect_vreg.gather [hbm4b:s5+s3], $0x80, v3, vm0, $0xb8;
	[tilespmem:$0x18400] =	vst v63  }
0x8c: {  	_ = 	snop  }
0x8d: {  	[tilespmem:s14], [sflag:$0x5] =	stream.indirect_vreg.gather [hbm4b:s6+s3], $0x80, v3, vm0, $0xb8;
	[tilespmem:$0x18400] =	vst v63  }
0x8e: {  	_ = 	snop  }
0x8f: {  	[tilespmem:s30], [sflag:$0x5] =	stream.indirect_vreg.gather [hbm4b:s8+s3], $0x80, v3, vm0, $0xb8;
	[tilespmem:$0x18400] =	vst v63  }
0x90: {  	_ =	swait.ge [sflag:s13], $0x4000  }
0x91: {  	[sflag:s13] =	ssyncset.done $0x0  }
0x92: {  	s25 =	rddreg [dreg:$0x7];
	[sflag:s13] =	ssyncadd.s32 $0xFFFFC000  }
0x93: {  	[hbm4b:s25+s3] =	stream.linear.scatter [tilespmem:s11], [sflag:$0x8], $0x4000, $0x38;
	[tilespmem:$0x18400] =	vst v63  }
0x94: {  	v3 =	vld [tilespmem:$0x50];
	_ =	sdelay $0x4  }
0x95: {  	v63 =	vshll.u32 v3, $0x3  }
0x96: {  	v3 =	vand.u32 $0x7, v3;
	v4 =	vand.u32 $0xFFFFFFC0, v63  }
0x97: {  	v3 =	vor.u32 v3, v4  }
0x98: {  	v4 =	vperm.xlane v3, v0;
	_ =	sdelay $0x1  }
0x99: {  	v4 =	vadd.s32 v1, v4;
	_ =	sdelay $0x4  }
0x9a: {  	[tilespmem:s26], [sflag:$0x6] =	stream.indirect_vreg.gather [hbm4b:s2+s3], $0x80, v4, vm0, $0xb8;
	[tilespmem:$0x18400] =	vst v63  }
0x9b: {  	v3 =	vperm.xlane v3, v2;
	s26 =	simm.s32 $0x14C00  }
0x9c: {  	[tilespmem:s26], [sflag:$0x6] =	stream.indirect_vreg.gather [hbm4b:s5+s3], $0x80, v4, vm0, $0xb8;
	[tilespmem:$0x18400] =	vst v63  }
0x9d: {  	s29 =	simm.s32 $0x15400;
	v3 =	vadd.s32 v1, v3  }
0x9e: {  	[tilespmem:s29], [sflag:$0x6] =	stream.indirect_vreg.gather [hbm4b:s6+s3], $0x80, v4, vm0, $0xb8;
	[tilespmem:$0x18400] =	vst v63  }
0x9f: {  	s30 =	simm.s32 $0x15C00  }
0xa0: {  	[tilespmem:s30], [sflag:$0x6] =	stream.indirect_vreg.gather [hbm4b:s8+s3], $0x80, v4, vm0, $0xb8;
	[tilespmem:$0x18400] =	vst v63  }
0xa1: {  	s4 =	simm.s32 $0x16400  }
0xa2: {  	[tilespmem:s4], [sflag:$0x6] =	stream.indirect_vreg.gather [hbm4b:s2+s3], $0x80, v3, vm0, $0xb8;
	[tilespmem:$0x18400] =	vst v63  }
0xa3: {  	s16 =	simm.s32 $0x16C00  }
0xa4: {  	[tilespmem:s16], [sflag:$0x6] =	stream.indirect_vreg.gather [hbm4b:s5+s3], $0x80, v3, vm0, $0xb8;
	[tilespmem:$0x18400] =	vst v63  }
0xa5: {  	s17 =	simm.s32 $0x17400  }
0xa6: {  	[tilespmem:s17], [sflag:$0x6] =	stream.indirect_vreg.gather [hbm4b:s6+s3], $0x80, v3, vm0, $0xb8;
	[tilespmem:$0x18400] =	vst v63  }
0xa7: {  	s20 =	simm.s32 $0x17C00;
	s15 =	simm.s32 $0x0;
	s25 =	simm.s32 $0xB0  }
0xa8: {  	[tilespmem:s20], [sflag:$0x6] =	stream.indirect_vreg.gather [hbm4b:s8+s3], $0x80, v3, vm0, $0xb8;
	[tilespmem:$0x18400] =	vst v63  }
.LBB2_2:
0xa9: {  	_ =	swait.ge [sflag:s18], $0x4000  }
0xaa: {  	s26 =	rddreg [dreg:$0x4]  }
0xab: {  	[sflag:s18] =	ssyncset.done $0x0;
	s26 =	sadd.s32 s15, s26  }
0xac: {  	s30 =	simm.s32 $0x8400;
	[sflag:s18] =	ssyncadd.s32 $0xFFFFC000;
	s1 =	sadd.s32 $0x1000, s26  }
0xad: {  	[hbm4b:s1+s3] =	stream.linear.scatter [tilespmem:s30], [sflag:$0x9], $0x4000, $0x38;
	[tilespmem:$0x18400] =	vst v63  }
0xae: {  	_ =	swait.ge [sflag:s9], $0x4000  }
0xaf: {  	[sflag:s9] =	ssyncset.done $0x0  }
0xb0: {  	[sflag:s9] =	ssyncadd.s32 $0xFFFFC000  }
0xb1: {  	v3 =	vld [tilespmem:s25+$0xFFFFFFB0];
	_ =	sdelay $0x4  }
0xb2: {  	v4 =	vshll.u32 v3, $0x3  }
0xb3: {  	v3 =	vand.u32 $0x7, v3;
	v4 =	vand.u32 $0xFFFFFFC0, v4  }
0xb4: {  	v3 =	vor.u32 v3, v4  }
0xb5: {  	v4 =	vperm.xlane v3, v0;
	_ =	sdelay $0x1  }
0xb6: {  	v4 =	vadd.s32 v1, v4;
	_ =	sdelay $0x3  }
0xb7: {  	s29 =	simm.s32 $0x400  }
0xb8: {  	[tilespmem:s29], [sflag:$0x1] =	stream.indirect_vreg.gather [hbm4b:s2+s3], $0x80, v4, vm0, $0xb8;
	[tilespmem:$0x18400] =	vst v63  }
0xb9: {  	s7 =	simm.s32 $0xC00;
	v3 =	vperm.xlane v3, v2  }
0xba: {  	[tilespmem:s7], [sflag:$0x1] =	stream.indirect_vreg.gather [hbm4b:s5+s3], $0x80, v4, vm0, $0xb8;
	[tilespmem:$0x18400] =	vst v63  }
0xbb: {  	s11 =	simm.s32 $0x1400;
	v3 =	vadd.s32 v1, v3  }
0xbc: {  	[tilespmem:s11], [sflag:$0x1] =	stream.indirect_vreg.gather [hbm4b:s6+s3], $0x80, v4, vm0, $0xb8;
	[tilespmem:$0x18400] =	vst v63  }
0xbd: {  	s14 =	simm.s32 $0x1C00  }
0xbe: {  	[tilespmem:s14], [sflag:$0x1] =	stream.indirect_vreg.gather [hbm4b:s8+s3], $0x80, v4, vm0, $0xb8;
	[tilespmem:$0x18400] =	vst v63  }
0xbf: {  	s0 =	simm.s32 $0x2400  }
0xc0: {  	[tilespmem:s0], [sflag:$0x1] =	stream.indirect_vreg.gather [hbm4b:s2+s3], $0x80, v3, vm0, $0xb8;
	[tilespmem:$0x18400] =	vst v63  }
0xc1: {  	s7 =	simm.s32 $0x2C00  }
0xc2: {  	[tilespmem:s7], [sflag:$0x1] =	stream.indirect_vreg.gather [hbm4b:s5+s3], $0x80, v3, vm0, $0xb8;
	[tilespmem:$0x18400] =	vst v63  }
0xc3: {  	s11 =	simm.s32 $0x3400  }
0xc4: {  	[tilespmem:s11], [sflag:$0x1] =	stream.indirect_vreg.gather [hbm4b:s6+s3], $0x80, v3, vm0, $0xb8;
	[tilespmem:$0x18400] =	vst v63  }
0xc5: {  	s14 =	simm.s32 $0x3C00  }
0xc6: {  	[tilespmem:s14], [sflag:$0x1] =	stream.indirect_vreg.gather [hbm4b:s8+s3], $0x80, v3, vm0, $0xb8;
	[tilespmem:$0x18400] =	vst v63  }
0xc7: {  	_ =	swait.ge [sflag:s10], $0x4000  }
0xc8: {  	[sflag:s10] =	ssyncset.done $0x0  }
0xc9: {  	s0 =	sadd.s32 $0x1800, s26;
	s14 =	simm.s32 $0xC400;
	[sflag:s10] =	ssyncadd.s32 $0xFFFFC000  }
0xca: {  	[hbm4b:s0+s3] =	stream.linear.scatter [tilespmem:s14], [sflag:$0xA], $0x4000, $0x38;
	[tilespmem:$0x18400] =	vst v63  }
0xcb: {  	_ =	swait.ge [sflag:s19], $0x4000  }
0xcc: {  	[sflag:s19] =	ssyncset.done $0x0  }
0xcd: {  	[sflag:s19] =	ssyncadd.s32 $0xFFFFC000  }
0xce: {  	v3 =	vld [tilespmem:s25+$0xFFFFFFC0];
	_ =	sdelay $0x4  }
0xcf: {  	v59 =	vshll.u32 v3, $0x3  }
0xd0: {  	v3 =	vand.u32 $0x7, v3;
	v4 =	vand.u32 $0xFFFFFFC0, v59  }
0xd1: {  	v3 =	vor.u32 v3, v4  }
0xd2: {  	v4 =	vperm.xlane v3, v0;
	_ =	sdelay $0x1  }
0xd3: {  	v4 =	vadd.s32 v1, v4;
	_ =	sdelay $0x3  }
0xd4: {  	s11 =	simm.s32 $0x4400  }
0xd5: {  	[tilespmem:s11], [sflag:$0x2] =	stream.indirect_vreg.gather [hbm4b:s2+s3], $0x80, v4, vm0, $0xb8;
	[tilespmem:$0x18400] =	vst v63  }
0xd6: {  	s7 =	simm.s32 $0x4C00;
	v3 =	vperm.xlane v3, v2  }
0xd7: {  	[tilespmem:s7], [sflag:$0x2] =	stream.indirect_vreg.gather [hbm4b:s5+s3], $0x80, v4, vm0, $0xb8;
	[tilespmem:$0x18400] =	vst v63  }
0xd8: {  	s0 =	simm.s32 $0x5400;
	v3 =	vadd.s32 v1, v3  }
0xd9: {  	[tilespmem:s0], [sflag:$0x2] =	stream.indirect_vreg.gather [hbm4b:s6+s3], $0x80, v4, vm0, $0xb8;
	[tilespmem:$0x18400] =	vst v63  }
0xda: {  	s7 =	simm.s32 $0x5C00  }
0xdb: {  	[tilespmem:s7], [sflag:$0x2] =	stream.indirect_vreg.gather [hbm4b:s8+s3], $0x80, v4, vm0, $0xb8;
	[tilespmem:$0x18400] =	vst v63  }
0xdc: {  	s0 =	simm.s32 $0x6400  }
0xdd: {  	[tilespmem:s0], [sflag:$0x2] =	stream.indirect_vreg.gather [hbm4b:s2+s3], $0x80, v3, vm0, $0xb8;
	[tilespmem:$0x18400] =	vst v63  }
0xde: {  	s7 =	simm.s32 $0x6C00  }
0xdf: {  	[tilespmem:s7], [sflag:$0x2] =	stream.indirect_vreg.gather [hbm4b:s5+s3], $0x80, v3, vm0, $0xb8;
	[tilespmem:$0x18400] =	vst v63  }
0xe0: {  	s0 =	simm.s32 $0x7400  }
0xe1: {  	[tilespmem:s0], [sflag:$0x2] =	stream.indirect_vreg.gather [hbm4b:s6+s3], $0x80, v3, vm0, $0xb8;
	[tilespmem:$0x18400] =	vst v63  }
0xe2: {  	s7 =	simm.s32 $0x7C00  }
0xe3: {  	[tilespmem:s7], [sflag:$0x2] =	stream.indirect_vreg.gather [hbm4b:s8+s3], $0x80, v3, vm0, $0xb8;
	[tilespmem:$0x18400] =	vst v63  }
0xe4: {  	_ =	swait.ge [sflag:s21], $0x4000  }
0xe5: {  	[sflag:s21] =	ssyncset.done $0x0  }
0xe6: {  	s0 =	sadd.s32 $0x2000, s26;
	s7 =	simm.s32 $0x10400;
	[sflag:s21] =	ssyncadd.s32 $0xFFFFC000  }
0xe7: {  	[hbm4b:s0+s3] =	stream.linear.scatter [tilespmem:s7], [sflag:$0xB], $0x4000, $0x38;
	[tilespmem:$0x18400] =	vst v63  }
0xe8: {  	_ =	swait.ge [sflag:s12], $0x4000  }
0xe9: {  	[sflag:s12] =	ssyncset.done $0x0  }
0xea: {  	[sflag:s12] =	ssyncadd.s32 $0xFFFFC000  }
0xeb: {  	v3 =	vld [tilespmem:s25+$0xFFFFFFD0];
	_ =	sdelay $0x4  }
0xec: {  	v60 =	vshll.u32 v3, $0x3  }
0xed: {  	v3 =	vand.u32 $0x7, v3;
	v4 =	vand.u32 $0xFFFFFFC0, v60  }
0xee: {  	v3 =	vor.u32 v3, v4  }
0xef: {  	v4 =	vperm.xlane v3, v0;
	_ =	sdelay $0x1  }
0xf0: {  	v4 =	vadd.s32 v1, v4;
	_ =	sdelay $0x4  }
0xf1: {  	[tilespmem:s30], [sflag:$0x3] =	stream.indirect_vreg.gather [hbm4b:s2+s3], $0x80, v4, vm0, $0xb8;
	[tilespmem:$0x18400] =	vst v63  }
0xf2: {  	s0 =	simm.s32 $0x8C00;
	v3 =	vperm.xlane v3, v2  }
0xf3: {  	[tilespmem:s0], [sflag:$0x3] =	stream.indirect_vreg.gather [hbm4b:s5+s3], $0x80, v4, vm0, $0xb8;
	[tilespmem:$0x18400] =	vst v63  }
0xf4: {  	v3 =	vadd.s32 v1, v3;
	s0 =	simm.s32 $0x9400  }
0xf5: {  	[tilespmem:s0], [sflag:$0x3] =	stream.indirect_vreg.gather [hbm4b:s6+s3], $0x80, v4, vm0, $0xb8;
	[tilespmem:$0x18400] =	vst v63  }
0xf6: {  	s0 =	simm.s32 $0x9C00  }
0xf7: {  	[tilespmem:s0], [sflag:$0x3] =	stream.indirect_vreg.gather [hbm4b:s8+s3], $0x80, v4, vm0, $0xb8;
	[tilespmem:$0x18400] =	vst v63  }
0xf8: {  	s0 =	simm.s32 $0xA400  }
0xf9: {  	[tilespmem:s0], [sflag:$0x3] =	stream.indirect_vreg.gather [hbm4b:s2+s3], $0x80, v3, vm0, $0xb8;
	[tilespmem:$0x18400] =	vst v63  }
0xfa: {  	s0 =	simm.s32 $0xAC00  }
0xfb: {  	[tilespmem:s0], [sflag:$0x3] =	stream.indirect_vreg.gather [hbm4b:s5+s3], $0x80, v3, vm0, $0xb8;
	[tilespmem:$0x18400] =	vst v63  }
0xfc: {  	s0 =	simm.s32 $0xB400  }
0xfd: {  	[tilespmem:s0], [sflag:$0x3] =	stream.indirect_vreg.gather [hbm4b:s6+s3], $0x80, v3, vm0, $0xb8;
	[tilespmem:$0x18400] =	vst v63  }
0xfe: {  	s0 =	simm.s32 $0xBC00  }
0xff: {  	[tilespmem:s0], [sflag:$0x3] =	stream.indirect_vreg.gather [hbm4b:s8+s3], $0x80, v3, vm0, $0xb8;
	[tilespmem:$0x18400] =	vst v63  }
0x100: {  	_ =	swait.ge [sflag:s22], $0x4000  }
0x101: {  	[sflag:s22] =	ssyncset.done $0x0  }
0x102: {  	s1 =	sadd.s32 $0x2800, s26;
	s0 =	simm.s32 $0x14400;
	[sflag:s22] =	ssyncadd.s32 $0xFFFFC000  }
0x103: {  	[hbm4b:s1+s3] =	stream.linear.scatter [tilespmem:s0], [sflag:$0xC], $0x4000, $0x38;
	[tilespmem:$0x18400] =	vst v63  }
0x104: {  	_ =	swait.ge [sflag:s23], $0x4000  }
0x105: {  	[sflag:s23] =	ssyncset.done $0x0  }
0x106: {  	[sflag:s23] =	ssyncadd.s32 $0xFFFFC000  }
0x107: {  	v3 =	vld [tilespmem:s25+$0xFFFFFFE0];
	_ =	sdelay $0x4  }
0x108: {  	v61 =	vshll.u32 v3, $0x3  }
0x109: {  	v3 =	vand.u32 $0x7, v3;
	v4 =	vand.u32 $0xFFFFFFC0, v61  }
0x10a: {  	v3 =	vor.u32 v3, v4  }
0x10b: {  	v4 =	vperm.xlane v3, v0;
	_ =	sdelay $0x1  }
0x10c: {  	v4 =	vadd.s32 v1, v4;
	_ =	sdelay $0x4  }
0x10d: {  	[tilespmem:s14], [sflag:$0x4] =	stream.indirect_vreg.gather [hbm4b:s2+s3], $0x80, v4, vm0, $0xb8;
	[tilespmem:$0x18400] =	vst v63  }
0x10e: {  	s1 =	simm.s32 $0xCC00;
	v3 =	vperm.xlane v3, v2  }
0x10f: {  	[tilespmem:s1], [sflag:$0x4] =	stream.indirect_vreg.gather [hbm4b:s5+s3], $0x80, v4, vm0, $0xb8;
	[tilespmem:$0x18400] =	vst v63  }
0x110: {  	v3 =	vadd.s32 v1, v3;
	s1 =	simm.s32 $0xD400  }
0x111: {  	[tilespmem:s1], [sflag:$0x4] =	stream.indirect_vreg.gather [hbm4b:s6+s3], $0x80, v4, vm0, $0xb8;
	[tilespmem:$0x18400] =	vst v63  }
0x112: {  	s1 =	simm.s32 $0xDC00  }
0x113: {  	[tilespmem:s1], [sflag:$0x4] =	stream.indirect_vreg.gather [hbm4b:s8+s3], $0x80, v4, vm0, $0xb8;
	[tilespmem:$0x18400] =	vst v63  }
0x114: {  	s1 =	simm.s32 $0xE400  }
0x115: {  	[tilespmem:s1], [sflag:$0x4] =	stream.indirect_vreg.gather [hbm4b:s2+s3], $0x80, v3, vm0, $0xb8;
	[tilespmem:$0x18400] =	vst v63  }
0x116: {  	s1 =	simm.s32 $0xEC00  }
0x117: {  	[tilespmem:s1], [sflag:$0x4] =	stream.indirect_vreg.gather [hbm4b:s5+s3], $0x80, v3, vm0, $0xb8;
	[tilespmem:$0x18400] =	vst v63  }
0x118: {  	s1 =	simm.s32 $0xF400  }
0x119: {  	[tilespmem:s1], [sflag:$0x4] =	stream.indirect_vreg.gather [hbm4b:s6+s3], $0x80, v3, vm0, $0xb8;
	[tilespmem:$0x18400] =	vst v63  }
0x11a: {  	s1 =	simm.s32 $0xFC00  }
0x11b: {  	[tilespmem:s1], [sflag:$0x4] =	stream.indirect_vreg.gather [hbm4b:s8+s3], $0x80, v3, vm0, $0xb8;
	[tilespmem:$0x18400] =	vst v63  }
0x11c: {  	_ =	swait.ge [sflag:s28], $0x4000  }
0x11d: {  	[sflag:s28] =	ssyncset.done $0x0  }
0x11e: {  	s1 =	sadd.s32 $0x3000, s26;
	[sflag:s28] =	ssyncadd.s32 $0xFFFFC000  }
0x11f: {  	[hbm4b:s1+s3] =	stream.linear.scatter [tilespmem:s29], [sflag:$0x7], $0x4000, $0x38;
	[tilespmem:$0x18400] =	vst v63  }
0x120: {  	_ =	swait.ge [sflag:s24], $0x4000  }
0x121: {  	[sflag:s24] =	ssyncset.done $0x0  }
0x122: {  	[sflag:s24] =	ssyncadd.s32 $0xFFFFC000  }
0x123: {  	v3 =	vld [tilespmem:s25+$0xFFFFFFF0];
	_ =	sdelay $0x4  }
0x124: {  	v62 =	vshll.u32 v3, $0x3  }
0x125: {  	v3 =	vand.u32 $0x7, v3;
	v4 =	vand.u32 $0xFFFFFFC0, v62  }
0x126: {  	v3 =	vor.u32 v3, v4  }
0x127: {  	v4 =	vperm.xlane v3, v0;
	_ =	sdelay $0x1  }
0x128: {  	v4 =	vadd.s32 v1, v4;
	_ =	sdelay $0x4  }
0x129: {  	[tilespmem:s7], [sflag:$0x5] =	stream.indirect_vreg.gather [hbm4b:s2+s3], $0x80, v4, vm0, $0xb8;
	[tilespmem:$0x18400] =	vst v63  }
0x12a: {  	v3 =	vperm.xlane v3, v2;
	s7 =	simm.s32 $0x10C00  }
0x12b: {  	[tilespmem:s7], [sflag:$0x5] =	stream.indirect_vreg.gather [hbm4b:s5+s3], $0x80, v4, vm0, $0xb8;
	[tilespmem:$0x18400] =	vst v63  }
0x12c: {  	v3 =	vadd.s32 v1, v3;
	s7 =	simm.s32 $0x11400  }
0x12d: {  	[tilespmem:s7], [sflag:$0x5] =	stream.indirect_vreg.gather [hbm4b:s6+s3], $0x80, v4, vm0, $0xb8;
	[tilespmem:$0x18400] =	vst v63  }
0x12e: {  	s7 =	simm.s32 $0x11C00  }
0x12f: {  	[tilespmem:s7], [sflag:$0x5] =	stream.indirect_vreg.gather [hbm4b:s8+s3], $0x80, v4, vm0, $0xb8;
	[tilespmem:$0x18400] =	vst v63  }
0x130: {  	s7 =	simm.s32 $0x12400  }
0x131: {  	[tilespmem:s7], [sflag:$0x5] =	stream.indirect_vreg.gather [hbm4b:s2+s3], $0x80, v3, vm0, $0xb8;
	[tilespmem:$0x18400] =	vst v63  }
0x132: {  	s7 =	simm.s32 $0x12C00  }
0x133: {  	[tilespmem:s7], [sflag:$0x5] =	stream.indirect_vreg.gather [hbm4b:s5+s3], $0x80, v3, vm0, $0xb8;
	[tilespmem:$0x18400] =	vst v63  }
0x134: {  	s14 =	simm.s32 $0x13400  }
0x135: {  	[tilespmem:s14], [sflag:$0x5] =	stream.indirect_vreg.gather [hbm4b:s6+s3], $0x80, v3, vm0, $0xb8;
	[tilespmem:$0x18400] =	vst v63  }
0x136: {  	s30 =	simm.s32 $0x13C00  }
0x137: {  	[tilespmem:s30], [sflag:$0x5] =	stream.indirect_vreg.gather [hbm4b:s8+s3], $0x80, v3, vm0, $0xb8;
	[tilespmem:$0x18400] =	vst v63  }
0x138: {  	_ =	swait.ge [sflag:s13], $0x4000  }
0x139: {  	[sflag:s13] =	ssyncset.done $0x0  }
0x13a: {  	s26 =	sadd.s32 $0x3800, s26;
	[sflag:s13] =	ssyncadd.s32 $0xFFFFC000  }
0x13b: {  	[hbm4b:s26+s3] =	stream.linear.scatter [tilespmem:s11], [sflag:$0x8], $0x4000, $0x38;
	[tilespmem:$0x18400] =	vst v63  }
0x13c: {  	_ =	swait.ge [sflag:s31], $0x4000  }
0x13d: {  	[sflag:s31] =	ssyncset.done $0x0  }
0x13e: {  	[sflag:s31] =	ssyncadd.s32 $0xFFFFC000  }
0x13f: {  	v3 =	vld [tilespmem:s25+$0x0];
	_ =	sdelay $0x4  }
0x140: {  	v63 =	vshll.u32 v3, $0x3  }
0x141: {  	v3 =	vand.u32 $0x7, v3;
	v4 =	vand.u32 $0xFFFFFFC0, v63  }
0x142: {  	v3 =	vor.u32 v3, v4  }
0x143: {  	v4 =	vperm.xlane v3, v0;
	_ =	sdelay $0x1  }
0x144: {  	v4 =	vadd.s32 v1, v4;
	_ =	sdelay $0x4  }
0x145: {  	[tilespmem:s0], [sflag:$0x6] =	stream.indirect_vreg.gather [hbm4b:s2+s3], $0x80, v4, vm0, $0xb8;
	[tilespmem:$0x18400] =	vst v63  }
0x146: {  	s1 =	simm.s32 $0x14C00;
	v3 =	vperm.xlane v3, v2  }
0x147: {  	[tilespmem:s1], [sflag:$0x6] =	stream.indirect_vreg.gather [hbm4b:s5+s3], $0x80, v4, vm0, $0xb8;
	[tilespmem:$0x18400] =	vst v63  }
0x148: {  	s7 =	simm.s32 $0x15400;
	v3 =	vadd.s32 v1, v3  }
0x149: {  	[tilespmem:s7], [sflag:$0x6] =	stream.indirect_vreg.gather [hbm4b:s6+s3], $0x80, v4, vm0, $0xb8;
	[tilespmem:$0x18400] =	vst v63  }
0x14a: {  	s11 =	simm.s32 $0x15C00  }
0x14b: {  	[tilespmem:s11], [sflag:$0x6] =	stream.indirect_vreg.gather [hbm4b:s8+s3], $0x80, v4, vm0, $0xb8;
	[tilespmem:$0x18400] =	vst v63  }
0x14c: {  	_ = 	snop  }
0x14d: {  	[tilespmem:s4], [sflag:$0x6] =	stream.indirect_vreg.gather [hbm4b:s2+s3], $0x80, v3, vm0, $0xb8;
	[tilespmem:$0x18400] =	vst v63  }
0x14e: {  	p0 =	sne.s32 s15, $0x18000  }
0x14f: {  	[tilespmem:s16], [sflag:$0x6] =	stream.indirect_vreg.gather [hbm4b:s5+s3], $0x80, v3, vm0, $0xb8;
	[tilespmem:$0x18400] =	vst v63  }
.Ltmp0:
0x150: {  	_ = 	snop;
	(pc) =	sbr.rel @p0 .LBB2_2-.Ltmp0, $4  }
0x151: {  	s15 =	sadd.s32 $0x3000, s15  }
0x152: {  	[tilespmem:s17], [sflag:$0x6] =	stream.indirect_vreg.gather [hbm4b:s6+s3], $0x80, v3, vm0, $0xb8;
	[tilespmem:$0x18400] =	vst v63  }
0x153: {  	s29 =	simm.s32 $0x10400;
	s26 =	simm.s32 $0x14400;
	s25 =	sadd.s32 $0x60, s25  }
0x154: {  	[tilespmem:s20], [sflag:$0x6] =	stream.indirect_vreg.gather [hbm4b:s8+s3], $0x80, v3, vm0, $0xb8;
	[tilespmem:$0x18400] =	vst v63  }
0x155: {  	_ =	swait.ge [sflag:s18], $0x4000  }
0x156: {  	[sflag:s18] =	ssyncset.done $0x0  }
0x157: {  	s11 =	simm.s32 $0x8400;
	s1 =	rddreg [dreg:$0x8];
	[sflag:s18] =	ssyncadd.s32 $0xFFFFC000  }
0x158: {  	[hbm4b:s1+s3] =	stream.linear.scatter [tilespmem:s11], [sflag:$0x9], $0x4000, $0x38;
	[tilespmem:$0x18400] =	vst v63  }
0x159: {  	_ =	swait.ge [sflag:s9], $0x4000  }
0x15a: {  	[sflag:s9] =	ssyncset.done $0x0  }
0x15b: {  	[sflag:s9] =	ssyncadd.s32 $0xFFFFC000  }
0x15c: {  	v3 =	vld [tilespmem:$0x3C0];
	_ =	sdelay $0x4  }
0x15d: {  	v4 =	vshll.u32 v3, $0x3  }
0x15e: {  	v3 =	vand.u32 $0x7, v3;
	v4 =	vand.u32 $0xFFFFFFC0, v4  }
0x15f: {  	v3 =	vor.u32 v3, v4  }
0x160: {  	v4 =	vperm.xlane v3, v0;
	_ =	sdelay $0x1  }
0x161: {  	v4 =	vadd.s32 v1, v4;
	_ =	sdelay $0x3  }
0x162: {  	s0 =	simm.s32 $0x400  }
0x163: {  	[tilespmem:s0], [sflag:$0x1] =	stream.indirect_vreg.gather [hbm4b:s2+s3], $0x80, v4, vm0, $0xb8;
	[tilespmem:$0x18400] =	vst v63  }
0x164: {  	s7 =	simm.s32 $0xC00;
	v3 =	vperm.xlane v3, v2  }
0x165: {  	[tilespmem:s7], [sflag:$0x1] =	stream.indirect_vreg.gather [hbm4b:s5+s3], $0x80, v4, vm0, $0xb8;
	[tilespmem:$0x18400] =	vst v63  }
0x166: {  	s15 =	simm.s32 $0x1400;
	v3 =	vadd.s32 v1, v3  }
0x167: {  	[tilespmem:s15], [sflag:$0x1] =	stream.indirect_vreg.gather [hbm4b:s6+s3], $0x80, v4, vm0, $0xb8;
	[tilespmem:$0x18400] =	vst v63  }
0x168: {  	s16 =	simm.s32 $0x1C00  }
0x169: {  	[tilespmem:s16], [sflag:$0x1] =	stream.indirect_vreg.gather [hbm4b:s8+s3], $0x80, v4, vm0, $0xb8;
	[tilespmem:$0x18400] =	vst v63  }
0x16a: {  	s17 =	simm.s32 $0x2400  }
0x16b: {  	[tilespmem:s17], [sflag:$0x1] =	stream.indirect_vreg.gather [hbm4b:s2+s3], $0x80, v3, vm0, $0xb8;
	[tilespmem:$0x18400] =	vst v63  }
0x16c: {  	s20 =	simm.s32 $0x2C00  }
0x16d: {  	[tilespmem:s20], [sflag:$0x1] =	stream.indirect_vreg.gather [hbm4b:s5+s3], $0x80, v3, vm0, $0xb8;
	[tilespmem:$0x18400] =	vst v63  }
0x16e: {  	s25 =	simm.s32 $0x3400  }
0x16f: {  	[tilespmem:s25], [sflag:$0x1] =	stream.indirect_vreg.gather [hbm4b:s6+s3], $0x80, v3, vm0, $0xb8;
	[tilespmem:$0x18400] =	vst v63  }
0x170: {  	s4 =	simm.s32 $0x3C00  }
0x171: {  	[tilespmem:s4], [sflag:$0x1] =	stream.indirect_vreg.gather [hbm4b:s8+s3], $0x80, v3, vm0, $0xb8;
	[tilespmem:$0x18400] =	vst v63  }
0x172: {  	_ =	swait.ge [sflag:s10], $0x4000  }
0x173: {  	[sflag:s10] =	ssyncset.done $0x0  }
0x174: {  	s15 =	simm.s32 $0xC400;
	s7 =	rddreg [dreg:$0x9];
	[sflag:s10] =	ssyncadd.s32 $0xFFFFC000  }
0x175: {  	[hbm4b:s7+s3] =	stream.linear.scatter [tilespmem:s15], [sflag:$0xA], $0x4000, $0x38;
	[tilespmem:$0x18400] =	vst v63  }
0x176: {  	_ =	swait.ge [sflag:s19], $0x4000  }
0x177: {  	[sflag:s19] =	ssyncset.done $0x0  }
0x178: {  	[sflag:s19] =	ssyncadd.s32 $0xFFFFC000  }
0x179: {  	v3 =	vld [tilespmem:$0x3D0];
	_ =	sdelay $0x4  }
0x17a: {  	v61 =	vshll.u32 v3, $0x3  }
0x17b: {  	v3 =	vand.u32 $0x7, v3;
	v4 =	vand.u32 $0xFFFFFFC0, v61  }
0x17c: {  	v3 =	vor.u32 v3, v4  }
0x17d: {  	v4 =	vperm.xlane v3, v0;
	_ =	sdelay $0x1  }
0x17e: {  	v4 =	vadd.s32 v1, v4;
	_ =	sdelay $0x3  }
0x17f: {  	s4 =	simm.s32 $0x4400  }
0x180: {  	[tilespmem:s4], [sflag:$0x2] =	stream.indirect_vreg.gather [hbm4b:s2+s3], $0x80, v4, vm0, $0xb8;
	[tilespmem:$0x18400] =	vst v63  }
0x181: {  	s16 =	simm.s32 $0x4C00;
	v3 =	vperm.xlane v3, v2  }
0x182: {  	[tilespmem:s16], [sflag:$0x2] =	stream.indirect_vreg.gather [hbm4b:s5+s3], $0x80, v4, vm0, $0xb8;
	[tilespmem:$0x18400] =	vst v63  }
0x183: {  	s17 =	simm.s32 $0x5400;
	v3 =	vadd.s32 v1, v3  }
0x184: {  	[tilespmem:s17], [sflag:$0x2] =	stream.indirect_vreg.gather [hbm4b:s6+s3], $0x80, v4, vm0, $0xb8;
	[tilespmem:$0x18400] =	vst v63  }
0x185: {  	s20 =	simm.s32 $0x5C00  }
0x186: {  	[tilespmem:s20], [sflag:$0x2] =	stream.indirect_vreg.gather [hbm4b:s8+s3], $0x80, v4, vm0, $0xb8;
	[tilespmem:$0x18400] =	vst v63  }
0x187: {  	s25 =	simm.s32 $0x6400  }
0x188: {  	[tilespmem:s25], [sflag:$0x2] =	stream.indirect_vreg.gather [hbm4b:s2+s3], $0x80, v3, vm0, $0xb8;
	[tilespmem:$0x18400] =	vst v63  }
0x189: {  	s7 =	simm.s32 $0x6C00  }
0x18a: {  	[tilespmem:s7], [sflag:$0x2] =	stream.indirect_vreg.gather [hbm4b:s5+s3], $0x80, v3, vm0, $0xb8;
	[tilespmem:$0x18400] =	vst v63  }
0x18b: {  	s16 =	simm.s32 $0x7400  }
0x18c: {  	[tilespmem:s16], [sflag:$0x2] =	stream.indirect_vreg.gather [hbm4b:s6+s3], $0x80, v3, vm0, $0xb8;
	[tilespmem:$0x18400] =	vst v63  }
0x18d: {  	s17 =	simm.s32 $0x7C00  }
0x18e: {  	[tilespmem:s17], [sflag:$0x2] =	stream.indirect_vreg.gather [hbm4b:s8+s3], $0x80, v3, vm0, $0xb8;
	[tilespmem:$0x18400] =	vst v63  }
0x18f: {  	_ =	swait.ge [sflag:s21], $0x4000  }
0x190: {  	[sflag:s21] =	ssyncset.done $0x0  }
0x191: {  	s20 =	rddreg [dreg:$0xa];
	[sflag:s21] =	ssyncadd.s32 $0xFFFFC000  }
0x192: {  	[hbm4b:s20+s3] =	stream.linear.scatter [tilespmem:s29], [sflag:$0xB], $0x4000, $0x38;
	[tilespmem:$0x18400] =	vst v63  }
0x193: {  	_ =	swait.ge [sflag:s12], $0x4000  }
0x194: {  	[sflag:s12] =	ssyncset.done $0x0  }
0x195: {  	[sflag:s12] =	ssyncadd.s32 $0xFFFFC000  }
0x196: {  	v3 =	vld [tilespmem:$0x3E0];
	_ =	sdelay $0x4  }
0x197: {  	v62 =	vshll.u32 v3, $0x3  }
0x198: {  	v3 =	vand.u32 $0x7, v3;
	v4 =	vand.u32 $0xFFFFFFC0, v62  }
0x199: {  	v3 =	vor.u32 v3, v4  }
0x19a: {  	v4 =	vperm.xlane v3, v0;
	_ =	sdelay $0x1  }
0x19b: {  	v4 =	vadd.s32 v1, v4;
	_ =	sdelay $0x4  }
0x19c: {  	[tilespmem:s11], [sflag:$0x3] =	stream.indirect_vreg.gather [hbm4b:s2+s3], $0x80, v4, vm0, $0xb8;
	[tilespmem:$0x18400] =	vst v63  }
0x19d: {  	s25 =	simm.s32 $0x8C00;
	v3 =	vperm.xlane v3, v2  }
0x19e: {  	[tilespmem:s25], [sflag:$0x3] =	stream.indirect_vreg.gather [hbm4b:s5+s3], $0x80, v4, vm0, $0xb8;
	[tilespmem:$0x18400] =	vst v63  }
0x19f: {  	s7 =	simm.s32 $0x9400;
	v3 =	vadd.s32 v1, v3  }
0x1a0: {  	[tilespmem:s7], [sflag:$0x3] =	stream.indirect_vreg.gather [hbm4b:s6+s3], $0x80, v4, vm0, $0xb8;
	[tilespmem:$0x18400] =	vst v63  }
0x1a1: {  	s16 =	simm.s32 $0x9C00  }
0x1a2: {  	[tilespmem:s16], [sflag:$0x3] =	stream.indirect_vreg.gather [hbm4b:s8+s3], $0x80, v4, vm0, $0xb8;
	[tilespmem:$0x18400] =	vst v63  }
0x1a3: {  	s17 =	simm.s32 $0xA400  }
0x1a4: {  	[tilespmem:s17], [sflag:$0x3] =	stream.indirect_vreg.gather [hbm4b:s2+s3], $0x80, v3, vm0, $0xb8;
	[tilespmem:$0x18400] =	vst v63  }
0x1a5: {  	s20 =	simm.s32 $0xAC00  }
0x1a6: {  	[tilespmem:s20], [sflag:$0x3] =	stream.indirect_vreg.gather [hbm4b:s5+s3], $0x80, v3, vm0, $0xb8;
	[tilespmem:$0x18400] =	vst v63  }
0x1a7: {  	s25 =	simm.s32 $0xB400  }
0x1a8: {  	[tilespmem:s25], [sflag:$0x3] =	stream.indirect_vreg.gather [hbm4b:s6+s3], $0x80, v3, vm0, $0xb8;
	[tilespmem:$0x18400] =	vst v63  }
0x1a9: {  	s7 =	simm.s32 $0xBC00  }
0x1aa: {  	[tilespmem:s7], [sflag:$0x3] =	stream.indirect_vreg.gather [hbm4b:s8+s3], $0x80, v3, vm0, $0xb8;
	[tilespmem:$0x18400] =	vst v63  }
0x1ab: {  	_ =	swait.ge [sflag:s22], $0x4000  }
0x1ac: {  	[sflag:s22] =	ssyncset.done $0x0  }
0x1ad: {  	s16 =	rddreg [dreg:$0xb];
	[sflag:s22] =	ssyncadd.s32 $0xFFFFC000  }
0x1ae: {  	[hbm4b:s16+s3] =	stream.linear.scatter [tilespmem:s26], [sflag:$0xC], $0x4000, $0x38;
	[tilespmem:$0x18400] =	vst v63  }
0x1af: {  	_ =	swait.ge [sflag:s23], $0x4000  }
0x1b0: {  	[sflag:s23] =	ssyncset.done $0x0  }
0x1b1: {  	[sflag:s23] =	ssyncadd.s32 $0xFFFFC000  }
0x1b2: {  	v3 =	vld [tilespmem:$0x3F0];
	_ =	sdelay $0x4  }
0x1b3: {  	v63 =	vshll.u32 v3, $0x3  }
0x1b4: {  	v3 =	vand.u32 $0x7, v3;
	v4 =	vand.u32 $0xFFFFFFC0, v63  }
0x1b5: {  	v3 =	vor.u32 v3, v4  }
0x1b6: {  	v4 =	vperm.xlane v3, v0;
	_ =	sdelay $0x1  }
0x1b7: {  	v4 =	vadd.s32 v1, v4;
	_ =	sdelay $0x4  }
0x1b8: {  	[tilespmem:s15], [sflag:$0x4] =	stream.indirect_vreg.gather [hbm4b:s2+s3], $0x80, v4, vm0, $0xb8;
	[tilespmem:$0x18400] =	vst v63  }
0x1b9: {  	s17 =	simm.s32 $0xCC00;
	v3 =	vperm.xlane v3, v2  }
0x1ba: {  	[tilespmem:s17], [sflag:$0x4] =	stream.indirect_vreg.gather [hbm4b:s5+s3], $0x80, v4, vm0, $0xb8;
	[tilespmem:$0x18400] =	vst v63  }
0x1bb: {  	s20 =	simm.s32 $0xD400;
	v3 =	vadd.s32 v1, v3  }
0x1bc: {  	[tilespmem:s20], [sflag:$0x4] =	stream.indirect_vreg.gather [hbm4b:s6+s3], $0x80, v4, vm0, $0xb8;
	[tilespmem:$0x18400] =	vst v63  }
0x1bd: {  	s25 =	simm.s32 $0xDC00  }
0x1be: {  	[tilespmem:s25], [sflag:$0x4] =	stream.indirect_vreg.gather [hbm4b:s8+s3], $0x80, v4, vm0, $0xb8;
	[tilespmem:$0x18400] =	vst v63  }
0x1bf: {  	s7 =	simm.s32 $0xE400  }
0x1c0: {  	[tilespmem:s7], [sflag:$0x4] =	stream.indirect_vreg.gather [hbm4b:s2+s3], $0x80, v3, vm0, $0xb8;
	[tilespmem:$0x18400] =	vst v63  }
0x1c1: {  	s16 =	simm.s32 $0xEC00  }
0x1c2: {  	[tilespmem:s16], [sflag:$0x4] =	stream.indirect_vreg.gather [hbm4b:s5+s3], $0x80, v3, vm0, $0xb8;
	[tilespmem:$0x18400] =	vst v63  }
0x1c3: {  	s17 =	simm.s32 $0xF400  }
0x1c4: {  	[tilespmem:s17], [sflag:$0x4] =	stream.indirect_vreg.gather [hbm4b:s6+s3], $0x80, v3, vm0, $0xb8;
	[tilespmem:$0x18400] =	vst v63  }
0x1c5: {  	s20 =	simm.s32 $0xFC00  }
0x1c6: {  	[tilespmem:s20], [sflag:$0x4] =	stream.indirect_vreg.gather [hbm4b:s8+s3], $0x80, v3, vm0, $0xb8;
	[tilespmem:$0x18400] =	vst v63  }
0x1c7: {  	_ =	swait.ge [sflag:s28], $0x4000  }
0x1c8: {  	[sflag:s28] =	ssyncset.done $0x0  }
0x1c9: {  	s25 =	rddreg [dreg:$0xc];
	[sflag:s28] =	ssyncadd.s32 $0xFFFFC000  }
0x1ca: {  	[hbm4b:s25+s3] =	stream.linear.scatter [tilespmem:s0], [sflag:$0x7], $0x4000, $0x38;
	[tilespmem:$0x18400] =	vst v63  }
0x1cb: {  	_ =	swait.ge [sflag:s24], $0x4000  }
0x1cc: {  	[sflag:s24] =	ssyncset.done $0x0  }
0x1cd: {  	[sflag:s24] =	ssyncadd.s32 $0xFFFFC000  }
0x1ce: {  	_ =	swait.ge [sflag:s13], $0x4000  }
0x1cf: {  	[sflag:s13] =	ssyncset.done $0x0  }
0x1d0: {  	s0 =	rddreg [dreg:$0xd];
	[sflag:s13] =	ssyncadd.s32 $0xFFFFC000  }
0x1d1: {  	[hbm4b:s0+s3] =	stream.linear.scatter [tilespmem:s4], [sflag:$0x8], $0x4000, $0x38;
	[tilespmem:$0x18400] =	vst v63  }
0x1d2: {  	_ =	swait.ge [sflag:s31], $0x4000  }
0x1d3: {  	[sflag:s31] =	ssyncset.done $0x0  }
0x1d4: {  	[sflag:s31] =	ssyncadd.s32 $0xFFFFC000  }
0x1d5: {  	_ =	swait.ge [sflag:s18], $0x4000  }
0x1d6: {  	[sflag:s18] =	ssyncset.done $0x0  }
0x1d7: {  	s7 =	rddreg [dreg:$0xe];
	[sflag:s18] =	ssyncadd.s32 $0xFFFFC000  }
0x1d8: {  	[hbm4b:s7+s3] =	stream.linear.scatter [tilespmem:s11], [sflag:$0x9], $0x4000, $0x38;
	[tilespmem:$0x18400] =	vst v63  }
0x1d9: {  	_ =	swait.ge [sflag:s9], $0x4000  }
0x1da: {  	[sflag:s9] =	ssyncset.done $0x0  }
0x1db: {  	[sflag:s9] =	ssyncadd.s32 $0xFFFFC000  }
0x1dc: {  	_ =	swait.ge [sflag:s10], $0x4000  }
0x1dd: {  	[sflag:s10] =	ssyncset.done $0x0  }
0x1de: {  	s16 =	rddreg [dreg:$0xf];
	[sflag:s10] =	ssyncadd.s32 $0xFFFFC000  }
0x1df: {  	[hbm4b:s16+s3] =	stream.linear.scatter [tilespmem:s15], [sflag:$0xA], $0x4000, $0x38;
	[tilespmem:$0x18400] =	vst v63  }
0x1e0: {  	_ =	swait.ge [sflag:s19], $0x4000  }
0x1e1: {  	[sflag:s19] =	ssyncset.done $0x0  }
0x1e2: {  	[sflag:s19] =	ssyncadd.s32 $0xFFFFC000  }
0x1e3: {  	_ =	swait.ge [sflag:s12], $0x4000  }
0x1e4: {  	[sflag:s12] =	ssyncset.done $0x0  }
0x1e5: {  	[sflag:s12] =	ssyncadd.s32 $0xFFFFC000  }
0x1e6: {  	_ =	swait.ge [sflag:s23], $0x4000  }
0x1e7: {  	s17 =	rddreg [dreg:$0x11]  }
0x1e8: {  	s20 =	rddreg [dreg:$0x10];
	s11 =	sadd.s32 $0x1, s17  }
0x1e9: {  	p0 =	sne.s32 s11, s20  }
.Ltmp1:
0x1ea: {  	_ = 	snop;
	(pc) =	sbr.rel @p0 .LBB2_1-.Ltmp1, $4  }
0x1eb: {  	_ = 	snop  }
0x1ec: {  	s25 =	simm.s32 $0x8400;
	s0 =	simm.s32 $0x11400;
	s4 =	simm.s32 $0x12400  }
0x1ed: {  	s7 =	simm.s32 $0xC400;
	s15 =	simm.s32 $0x10C00;
	[sflag:s23] =	ssyncset.done $0x0  }
0x1ee: {  	s16 =	simm.s32 $0x11C00;
	[sflag:s23] =	ssyncadd.s32 $0xFFFFC000;
	s17 =	simm.s32 $0x12C00  }
0x1ef: {  	_ =	sfence.sel $0x180000  }
0x1f0: {  	[bflag:$0x0] =	sbarrier.arrive $0xFFFF  }
0x1f1: {  	_ =	strace $0x90000047  }
0x1f2: {  	s0 =	stileid.u32;
	[bflag:$0x2] =	sbarrier.arrive $0xFFFF  }
0x1f3: {  	p0 =	sne.s32 s0, $0x0;
	s0 =	rddreg [dreg:$0x3]  }
0x1f4: {  	s0 =	sadd.s32 @!p0 $0x100000, s0  }
0x1f5: {  	[sflag:s0] =	ssyncadd.tile.s32 @!p0 $0x1;
	_ =	shalt  }
.Lfunc_end2:
_tile_overlayer_lowered:
.L_overlay_start_2:
0x1f6: {  	(tag) =	ssettag $0x2  }
0x1f7: {  	s0 =	rddreg [dreg:$0x0];
	s2 =	stileid.u32  }
0x1f8: {  	s1 =	rddreg [dreg:$0x1];
	p0 =	sne.s32 s2, $0x0  }
0x1f9: {  	s3 =	rddreg [dreg:$0x2];
	[bflag:$0x3] =	sbarrier.arrive $0xFFFF;
	s2 =	simm.s32 @!p0 $0x1C0D  }
0x1fa: {  	[timem:s3], [sflag:s2] =	dma.local @!p0 [hbm:s0], s1  }
0x1fb: {  	s0 =	simm.s32 @!p0 $0xD  }
0x1fc: {  	_ =	swait.ge @!p0 [sflag:s0], s1  }
0x1fd: {  	s1 =	ssub.s32 @!p0 $0x0, s1;
	[sflag:s0] =	ssyncset.done @!p0 $0x0  }
0x1fe: {  	[sflag:s0] =	ssyncadd.s32 @!p0 s1  }
0x1ff: {  	[bflag:$0x3] =	sbarrier.arrive $0xFFFF  }
0x200: {  	_ =	shalt  }

</sc_bundles>
